<compile_context>
chip_gen: v7x
topology: tpu7x:2x2x1
jax: 0.10.2.dev20260603
libtpu: 0.0.44.dev20260713+nightly
codegen_flags: <defaults>
</compile_context>

<pallas_src>
import jax
import jax.numpy as jnp
from jax import lax
from jax.experimental import pallas as pl
from jax.experimental.pallas import tpu as pltpu
from jax.experimental.pallas import tpu_sc as plsc

VOCAB = 8192
N_TOK = 8192


SWEEP_ROWS = 256


def _sweep_body(tab_ref, ls_ref):
    x = tab_ref[...]
    s = jnp.sum(jnp.exp(x), axis=1)
    ls_ref[...] = jnp.log(s).reshape(1, 1, SWEEP_ROWS)


def _sweep(table):
    grid = VOCAB // SWEEP_ROWS
    out = pl.pallas_call(
        _sweep_body,
        grid=(grid,),
        in_specs=[pl.BlockSpec((SWEEP_ROWS, VOCAB), lambda i: (i, 0))],
        out_specs=pl.BlockSpec((1, 1, SWEEP_ROWS), lambda i: (i, 0, 0)),
        out_shape=jax.ShapeDtypeStruct((grid, 1, SWEEP_ROWS), jnp.float32),
    )(table)
    return out.reshape(VOCAB)



try:
    _SC_INFO = plsc.get_sparse_core_info()
    NC, NS = _SC_INFO.num_cores, _SC_INFO.num_subcores
except Exception:
    NC, NS = 2, 16
NW = NC * NS

TOK_PER_W = N_TOK // NW
CHUNK = 4
N_CHUNK = TOK_PER_W // CHUNK
LANES = 16


def _sc_body(idx_hbm, tgt_hbm, tab_hbm, out_hbm, val_hbm,
             idx_v2, tgt_v, vacc, buf0, buf1, sg0, sg1, ss0, ss1):
    wid = lax.axis_index("s") * NC + lax.axis_index("c")
    base = wid * TOK_PER_W
    b = wid // (NW // 4)
    tb = (wid % (NW // 4)) * TOK_PER_W

    pltpu.sync_copy(idx_hbm.at[pl.ds(wid * N_CHUNK, N_CHUNK)], idx_v2)
    pltpu.sync_copy(tgt_hbm.at[pl.ds(base, TOK_PER_W)], tgt_v.at[pl.ds(0, TOK_PER_W)])
    tgt_v[pl.ds(TOK_PER_W, LANES)] = jnp.zeros((LANES,), jnp.int32)
    vacc[...] = jnp.zeros((LANES,), jnp.float32)
    jv = lax.iota(jnp.int32, LANES)
    jmask = jv < CHUNK

    def gather(c, buf, sem):
        return pltpu.make_async_copy(tab_hbm.at[idx_v2.at[c]], buf.at[0], sem)

    def scatter(c, buf, sem):
        return pltpu.make_async_copy(
            buf, out_hbm.at[pl.ds(b, 1), pl.ds(tb + c * CHUNK, CHUNK)], sem
        )

    def pick(c, buf):
        tg16 = tgt_v[pl.ds(c * CHUNK, LANES)]
        picked = plsc.load_gather(buf.at[0], [jv % CHUNK, tg16], mask=jmask)
        vacc[...] += jnp.where(jmask, picked, 0.0)

    gather(0, buf0, sg0).start()
    gather(1, buf1, sg1).start()

    def step(j2, _):
        c0 = 2 * j2
        c1 = c0 + 1
        gather(c0, buf0, sg0).wait()
        s0 = scatter(c0, buf0, ss0)
        s0.start()
        pick(c0, buf0)
        s0.wait()

        @pl.when(c0 + 2 < N_CHUNK)
        def _():
            gather(c0 + 2, buf0, sg0).start()

        gather(c1, buf1, sg1).wait()
        s1 = scatter(c1, buf1, ss1)
        s1.start()
        pick(c1, buf1)
        s1.wait()

        @pl.when(c1 + 2 < N_CHUNK)
        def _():
            gather(c1 + 2, buf1, sg1).start()

    lax.fori_loop(0, N_CHUNK // 2, step, None)
    pltpu.sync_copy(vacc, val_hbm.at[wid])


def _sc_gather(table, idx_flat, tgt_flat, B, T):
    mesh = plsc.VectorSubcoreMesh(core_axis_name="c", subcore_axis_name="s")
    f = pl.kernel(
        _sc_body,
        out_type=[
            jax.ShapeDtypeStruct((B, T, VOCAB), jnp.float32),
            jax.ShapeDtypeStruct((NW, LANES), jnp.float32),
        ],
        mesh=mesh,
        compiler_params=pltpu.CompilerParams(needs_layout_passes=False),
        scratch_types=[
            pltpu.VMEM((N_CHUNK, CHUNK), jnp.int32),
            pltpu.VMEM((TOK_PER_W + LANES,), jnp.int32),
            pltpu.VMEM((LANES,), jnp.float32),
            pltpu.VMEM((1, CHUNK, VOCAB), jnp.float32),
            pltpu.VMEM((1, CHUNK, VOCAB), jnp.float32),
            pltpu.SemaphoreType.DMA,
            pltpu.SemaphoreType.DMA,
            pltpu.SemaphoreType.DMA,
            pltpu.SemaphoreType.DMA,
        ],
    )
    return f(idx_flat.reshape(N_TOK // CHUNK, CHUNK), tgt_flat, table)




def _finish_body(ls_ref, idx_ref, val_ref, loss_ref):
    vsum = jnp.sum(val_ref[...])

    def step(t, accs):
        a0, a1, a2, a3 = accs
        return (
            a0 + ls_ref[idx_ref[4 * t]],
            a1 + ls_ref[idx_ref[4 * t + 1]],
            a2 + ls_ref[idx_ref[4 * t + 2]],
            a3 + ls_ref[idx_ref[4 * t + 3]],
        )

    accs = lax.fori_loop(0, N_TOK // 4, step, (0.0, 0.0, 0.0, 0.0))
    loss_ref[0, 0] = (accs[0] + accs[1] + accs[2] + accs[3] - vsum) / N_TOK


def _finish(ls, idx_flat, val):
    return pl.pallas_call(
        _finish_body,
        in_specs=[
            pl.BlockSpec(memory_space=pltpu.SMEM),
            pl.BlockSpec(memory_space=pltpu.SMEM),
            pl.BlockSpec(memory_space=pltpu.VMEM),
        ],
        out_specs=pl.BlockSpec(memory_space=pltpu.SMEM),
        out_shape=jax.ShapeDtypeStruct((1, 1), jnp.float32),
    )(ls, idx_flat, val)


def kernel(idx, targets, token_embedding_table):
    B, T = idx.shape
    idx_flat = idx.reshape(N_TOK).astype(jnp.int32)
    tgt_flat = targets.reshape(N_TOK).astype(jnp.int32)

    ls = _sweep(token_embedding_table)
    logits, val = _sc_gather(token_embedding_table, idx_flat, tgt_flat, B, T)
    loss = _finish(ls, idx_flat, val)
    return logits, loss[0, 0]

# --- scband reference (transcript-rebuilt; emitter-appended) ---
"""Pipeline reference for scband-gptver1-45372034515388 (READ-ONLY COPY).

The authoritative reference and input builder live on the scoring server;
editing this copy changes nothing except your own understanding.
"""

import jax, jax.numpy as jnp
import numpy as np

VOCAB = 8192
B, T = 4, 2048

def setup_inputs(seed: int = 0) -> dict:
    key = jax.random.key(seed)
    k1, k2, k3 = jax.random.split(key, 3)
    idx = jax.random.randint(k1, (B, T), 0, VOCAB)
    targets = jax.random.randint(k2, (B, T), 0, VOCAB)
    token_embedding_table = jax.random.normal(k3, (VOCAB, VOCAB), dtype=jnp.float32) * 0.02
    return {"idx": idx, "targets": targets, "token_embedding_table": token_embedding_table}

def reference(idx, targets, token_embedding_table):
    # logits = embedding lookup: each token id gathers a full vocab-sized row (bigram model)
    logits = jnp.take(token_embedding_table, idx, axis=0)  # [B, T, VOCAB]
    Bb, Tt, C = logits.shape
    logits_flat = logits.reshape(Bb * Tt, C)
    targets_flat = targets.reshape(Bb * Tt)
    # F.cross_entropy with mean reduction
    logp = jax.nn.log_softmax(logits_flat, axis=-1)
    nll = -jnp.take_along_axis(logp, targets_flat[:, None], axis=1)[:, 0]
    loss = jnp.mean(nll)
    return (logits, loss)

if __name__ == "__main__":
    import jax
    _d = setup_inputs()
    print(jax.jit(kernel)(*tuple(_d.values())))

</pallas_src>

<mosaic_0001>
#map = affine_map<(d0, d1) -> (0, 0)>
#map1 = affine_map<(d0, d1) -> (0)>
#map2 = affine_map<(d0, d1) -> (0, 0, 0)>
module attributes {stable_mosaic.version = 14 : i64} {
  func.func @_sc_body(%arg0: i32, %arg1: i32, %arg2: memref<2048x4xi32, #tpu.memory_space<hbm>>, %arg3: memref<8192xi32, #tpu.memory_space<hbm>>, %arg4: memref<8192x8192xf32, #tpu.memory_space<hbm>>, %arg5: memref<4x2048x8192xf32, #tpu.memory_space<hbm>>, %arg6: memref<32x16xf32, #tpu.memory_space<hbm>>, %arg7: memref<64x4xi32, #tpu.memory_space<vmem>>, %arg8: memref<272xi32, #tpu.memory_space<vmem>>, %arg9: memref<16xf32, #tpu.memory_space<vmem>>, %arg10: memref<1x4x8192xf32, #tpu.memory_space<vmem>>, %arg11: memref<1x4x8192xf32, #tpu.memory_space<vmem>>, %arg12: memref<!tpu.dma_semaphore, #tpu.memory_space<semaphore_mem>>, %arg13: memref<!tpu.dma_semaphore, #tpu.memory_space<semaphore_mem>>, %arg14: memref<!tpu.dma_semaphore, #tpu.memory_space<semaphore_mem>>, %arg15: memref<!tpu.dma_semaphore, #tpu.memory_space<semaphore_mem>>) attributes {dimension_semantics = [#tpu.dimension_semantics<core_parallel>, #tpu.dimension_semantics<subcore_parallel>], iteration_bounds = array<i64: 2, 16>, scalar_prefetch = 0 : i64, scratch_operands = 9 : i64, tpu.core_type = #tpu.core_type<sc_vector_subcore>, window_params = [{transform_indices = #map}, {transform_indices = #map1}, {transform_indices = #map}, {transform_indices = #map2}, {transform_indices = #map}]} {
    %mul3A = arith.constant 2 : i32
    %mul3A_0 = arith.muli %arg1, %mul3A : i32
    %add3A = arith.addi %mul3A_0, %arg0 : i32
    %mul3A_1 = arith.constant 256 : i32
    %mul3A_2 = arith.muli %add3A, %mul3A_1 : i32
    %jit3A = arith.constant 8 : i32
    %div3A = arith.divsi %add3A, %jit3A : i32
    %sign3A = arith.constant 0 : i32
    %sign3A_3 = arith.cmpi sgt, %add3A, %sign3A : i32
    %sign3A_4 = arith.extui %sign3A_3 : i1 to i32
    %sign3A_5 = arith.constant 0 : i32
    %sign3A_6 = arith.cmpi slt, %add3A, %sign3A_5 : i32
    %sign3A_7 = arith.extui %sign3A_6 : i1 to i32
    %sign3A_8 = arith.subi %sign3A_4, %sign3A_7 : i32
    %sign3A_9 = arith.constant 0 : i32
    %sign3A_10 = arith.cmpi sgt, %jit3A, %sign3A_9 : i32
    %sign3A_11 = arith.extui %sign3A_10 : i1 to i32
    %sign3A_12 = arith.constant 0 : i32
    %sign3A_13 = arith.cmpi slt, %jit3A, %sign3A_12 : i32
    %sign3A_14 = arith.extui %sign3A_13 : i1 to i32
    %sign3A_15 = arith.subi %sign3A_11, %sign3A_14 : i32
    %ne3A = arith.cmpi ne, %sign3A_8, %sign3A_15 : i32
    %rem3A = arith.remsi %add3A, %jit3A : i32
    %ne3A_16 = arith.constant 0 : i32
    %ne3A_17 = arith.cmpi ne, %rem3A, %ne3A_16 : i32
    %and3A = arith.andi %ne3A, %ne3A_17 : i1
    %sub3A = arith.constant 1 : i32
    %sub3A_18 = arith.subi %div3A, %sub3A : i32
    %select_n3A = arith.select %and3A, %sub3A_18, %div3A : i32
    %jit3A_19 = arith.constant 8 : i32
    %eq3A = arith.constant 0 : i32
    %eq3A_20 = arith.cmpi eq, %jit3A_19, %eq3A : i32
    %jit3A_21 = arith.constant 1 : i32
    %select_n3A_22 = arith.select %eq3A_20, %jit3A_21, %jit3A_19 : i32
    %rem3A_23 = arith.remsi %add3A, %select_n3A_22 : i32
    %ne3A_24 = arith.constant 0 : i32
    %ne3A_25 = arith.cmpi ne, %rem3A_23, %ne3A_24 : i32
    %lt3A = arith.constant 0 : i32
    %lt3A_26 = arith.cmpi slt, %rem3A_23, %lt3A : i32
    %lt3A_27 = arith.constant 0 : i32
    %lt3A_28 = arith.cmpi slt, %select_n3A_22, %lt3A_27 : i32
    %ne3A_29 = arith.xori %lt3A_26, %lt3A_28 : i1
    %and3A_30 = arith.andi %ne3A_29, %ne3A_25 : i1
    %add3A_31 = arith.addi %rem3A_23, %select_n3A_22 : i32
    %select_n3A_32 = arith.select %and3A_30, %add3A_31, %rem3A_23 : i32
    %mul3A_33 = arith.constant 256 : i32
    %mul3A_34 = arith.muli %select_n3A_32, %mul3A_33 : i32
    %mul3A_35 = arith.constant 64 : i32
    %mul3A_36 = arith.muli %add3A, %mul3A_35 : i32
    "tpu.region"() ({
      %run_scoped3A = tpu.sem_alloc : memref<!tpu.dma_semaphore, #tpu.memory_space<semaphore_mem>>
      %dma_start3A_73 = arith.constant 0 : i32
      %dma_start3A_74 = tpu.memref_slice %arg2[%mul3A_36, %dma_start3A_73] : memref<2048x4xi32, #tpu.memory_space<hbm>> -> memref<64x4xi32, #tpu.memory_space<hbm>>
      %dma_start3A_75 = arith.constant 0 : i32
      %dma_start3A_76 = tpu.memref_slice %arg2[%mul3A_36, %dma_start3A_75] : memref<2048x4xi32, #tpu.memory_space<hbm>> -> memref<64x4xi32, #tpu.memory_space<hbm>>
      tpu.enqueue_dma source(%dma_start3A_76 : memref<64x4xi32, #tpu.memory_space<hbm>>) target(%arg7 : memref<64x4xi32, #tpu.memory_space<vmem>>) target_semaphore(%run_scoped3A : memref<!tpu.dma_semaphore, #tpu.memory_space<semaphore_mem>>)
      %dma_wait3A = arith.constant 0 : i32
      %dma_wait3A_77 = tpu.memref_slice %arg2[%mul3A_36, %dma_wait3A] : memref<2048x4xi32, #tpu.memory_space<hbm>> -> memref<64x4xi32, #tpu.memory_space<hbm>>
      %dma_wait3A_78 = arith.constant 0 : i32
      %dma_wait3A_79 = tpu.memref_slice %arg2[%mul3A_36, %dma_wait3A_78] : memref<2048x4xi32, #tpu.memory_space<hbm>> -> memref<64x4xi32, #tpu.memory_space<hbm>>
      tpu.wait_dma2 semaphore(%run_scoped3A : memref<!tpu.dma_semaphore, #tpu.memory_space<semaphore_mem>>) src(%dma_wait3A_79 : memref<64x4xi32, #tpu.memory_space<hbm>>) dst(%arg7 : memref<64x4xi32, #tpu.memory_space<vmem>>)
      tpu.yield
    }) : () -> ()
    "tpu.region"() ({
      %run_scoped3A = tpu.sem_alloc : memref<!tpu.dma_semaphore, #tpu.memory_space<semaphore_mem>>
      %dma_start3A_73 = arith.constant 0 : i32
      %dma_start3A_74 = tpu.memref_slice %arg8[%dma_start3A_73] : memref<272xi32, #tpu.memory_space<vmem>> -> memref<256xi32, #tpu.memory_space<vmem>>
      %dma_start3A_75 = tpu.memref_slice %arg3[%mul3A_2] : memref<8192xi32, #tpu.memory_space<hbm>> -> memref<256xi32, #tpu.memory_space<hbm>>
      %dma_start3A_76 = arith.constant 0 : i32
      %dma_start3A_77 = tpu.memref_slice %arg8[%dma_start3A_76] : memref<272xi32, #tpu.memory_space<vmem>> -> memref<256xi32, #tpu.memory_space<vmem>>
      %dma_start3A_78 = tpu.memref_slice %arg3[%mul3A_2] : memref<8192xi32, #tpu.memory_space<hbm>> -> memref<256xi32, #tpu.memory_space<hbm>>
      tpu.enqueue_dma source(%dma_start3A_78 : memref<256xi32, #tpu.memory_space<hbm>>) target(%dma_start3A_77 : memref<256xi32, #tpu.memory_space<vmem>>) target_semaphore(%run_scoped3A : memref<!tpu.dma_semaphore, #tpu.memory_space<semaphore_mem>>)
      %dma_wait3A = arith.constant 0 : i32
      %dma_wait3A_79 = tpu.memref_slice %arg8[%dma_wait3A] : memref<272xi32, #tpu.memory_space<vmem>> -> memref<256xi32, #tpu.memory_space<vmem>>
      %dma_wait3A_80 = tpu.memref_slice %arg3[%mul3A_2] : memref<8192xi32, #tpu.memory_space<hbm>> -> memref<256xi32, #tpu.memory_space<hbm>>
      %dma_wait3A_81 = arith.constant 0 : i32
      %dma_wait3A_82 = tpu.memref_slice %arg8[%dma_wait3A_81] : memref<272xi32, #tpu.memory_space<vmem>> -> memref<256xi32, #tpu.memory_space<vmem>>
      %dma_wait3A_83 = tpu.memref_slice %arg3[%mul3A_2] : memref<8192xi32, #tpu.memory_space<hbm>> -> memref<256xi32, #tpu.memory_space<hbm>>
      tpu.wait_dma2 semaphore(%run_scoped3A : memref<!tpu.dma_semaphore, #tpu.memory_space<semaphore_mem>>) src(%dma_wait3A_83 : memref<256xi32, #tpu.memory_space<hbm>>) dst(%dma_wait3A_82 : memref<256xi32, #tpu.memory_space<vmem>>)
      tpu.yield
    }) : () -> ()
    %broadcast_in_dim3A = arith.constant 0 : i32
    %broadcast_in_dim3A_37 = vector.broadcast %broadcast_in_dim3A : i32 to vector<16xi32>
    %swap3A = arith.constant 256 : index
    %swap3A_38 = tpu.vector_load %arg8[%swap3A] {strides = array<i32>} : memref<272xi32, #tpu.memory_space<vmem>>, vector<16xi32>,
    tpu.vector_store %arg8[%swap3A], %broadcast_in_dim3A_37 {strides = array<i32>} : memref<272xi32, #tpu.memory_space<vmem>>, vector<16xi32>,
    %broadcast_in_dim3A_39 = arith.constant 0.000000e+00 : f32
    %broadcast_in_dim3A_40 = vector.broadcast %broadcast_in_dim3A_39 : f32 to vector<16xf32>
    %swap3A_41 = arith.constant 0 : index
    %swap3A_42 = tpu.vector_load %arg9[%swap3A_41] {strides = array<i32>} : memref<16xf32, #tpu.memory_space<vmem>>, vector<16xf32>,
    tpu.vector_store %arg9[%swap3A_41], %broadcast_in_dim3A_40 {strides = array<i32>} : memref<16xf32, #tpu.memory_space<vmem>>, vector<16xf32>,
    %iota3A = tpu.iota {dimensions = array<i32: 0>} : vector<16xi32>
    %lt3A_43 = arith.constant 4 : i32
    %lt3A_44 = vector.broadcast %lt3A_43 : i32 to vector<16xi32>
    %lt3A_45 = arith.cmpi slt, %iota3A, %lt3A_44 : vector<16xi32>
    %dma_start3A = arith.constant 0 : i32
    %dma_start3A_46 = arith.constant 0 : i32
    %dma_start3A_47 = arith.constant 0 : i32
    %dma_start3A_48 = arith.constant 0 : i32
    %dma_start3A_49 = tpu.memref_slice %arg10[%dma_start3A_46, %dma_start3A_47, %dma_start3A_48] : memref<1x4x8192xf32, #tpu.memory_space<vmem>> -> memref<1x4x8192xf32, #tpu.memory_space<vmem>>
    %dma_start3A_50 = tpu.memref_squeeze %dma_start3A_49 : memref<1x4x8192xf32, #tpu.memory_space<vmem>> -> memref<4x8192xf32, #tpu.memory_space<vmem>>
    %dma_start3A_51 = arith.constant 0 : i32
    %dma_start3A_52 = tpu.memref_slice %arg7[%dma_start3A, %dma_start3A_51] : memref<64x4xi32, #tpu.memory_space<vmem>> -> memref<1x4xi32, #tpu.memory_space<vmem>>
    %dma_start3A_53 = tpu.memref_squeeze %dma_start3A_52 : memref<1x4xi32, #tpu.memory_space<vmem>> -> memref<4xi32, #tpu.memory_space<vmem>>
    %dma_start3A_54 = arith.constant 0 : i32
    %dma_start3A_55 = arith.constant 0 : i32
    %dma_start3A_56 = tpu.memref_slice %arg4[%dma_start3A_54, %dma_start3A_55] : memref<8192x8192xf32, #tpu.memory_space<hbm>> -> memref<8192x8192xf32, #tpu.memory_space<hbm>>
    tpu.enqueue_indirect_dma source(%dma_start3A_56 : memref<8192x8192xf32, #tpu.memory_space<hbm>>) target(%dma_start3A_50 : memref<4x8192xf32, #tpu.memory_space<vmem>>) offsets(%dma_start3A_53 : memref<4xi32, #tpu.memory_space<vmem>>) semaphore(%arg12 : memref<!tpu.dma_semaphore, #tpu.memory_space<semaphore_mem>>)
    %dma_start3A_57 = arith.constant 1 : i32
    %dma_start3A_58 = arith.constant 0 : i32
    %dma_start3A_59 = arith.constant 0 : i32
    %dma_start3A_60 = arith.constant 0 : i32
    %dma_start3A_61 = tpu.memref_slice %arg11[%dma_start3A_58, %dma_start3A_59, %dma_start3A_60] : memref<1x4x8192xf32, #tpu.memory_space<vmem>> -> memref<1x4x8192xf32, #tpu.memory_space<vmem>>
    %dma_start3A_62 = tpu.memref_squeeze %dma_start3A_61 : memref<1x4x8192xf32, #tpu.memory_space<vmem>> -> memref<4x8192xf32, #tpu.memory_space<vmem>>
    %dma_start3A_63 = arith.constant 0 : i32
    %dma_start3A_64 = tpu.memref_slice %arg7[%dma_start3A_57, %dma_start3A_63] : memref<64x4xi32, #tpu.memory_space<vmem>> -> memref<1x4xi32, #tpu.memory_space<vmem>>
    %dma_start3A_65 = tpu.memref_squeeze %dma_start3A_64 : memref<1x4xi32, #tpu.memory_space<vmem>> -> memref<4xi32, #tpu.memory_space<vmem>>
    %dma_start3A_66 = arith.constant 0 : i32
    %dma_start3A_67 = arith.constant 0 : i32
    %dma_start3A_68 = tpu.memref_slice %arg4[%dma_start3A_66, %dma_start3A_67] : memref<8192x8192xf32, #tpu.memory_space<hbm>> -> memref<8192x8192xf32, #tpu.memory_space<hbm>>
    tpu.enqueue_indirect_dma source(%dma_start3A_68 : memref<8192x8192xf32, #tpu.memory_space<hbm>>) target(%dma_start3A_62 : memref<4x8192xf32, #tpu.memory_space<vmem>>) offsets(%dma_start3A_65 : memref<4xi32, #tpu.memory_space<vmem>>) semaphore(%arg13 : memref<!tpu.dma_semaphore, #tpu.memory_space<semaphore_mem>>)
    %scan3A = arith.constant 0 : i32
    %scan3A_69 = arith.constant 32 : i32
    %scan3A_70 = arith.addi %scan3A, %scan3A_69 : i32
    %scan3A_71 = arith.constant 1 : i32
    scf.for %scan3A_73 = %scan3A to %scan3A_70 step %scan3A_71  : i32 {
      %mul3A_74 = arith.constant 2 : i32
      %mul3A_75 = arith.muli %mul3A_74, %scan3A_73 : i32
      %add3A_76 = arith.constant 1 : i32
      %add3A_77 = arith.addi %mul3A_75, %add3A_76 : i32
      %dma_wait3A = arith.constant 0 : i32
      %dma_wait3A_78 = arith.constant 0 : i32
      %dma_wait3A_79 = arith.constant 0 : i32
      %dma_wait3A_80 = tpu.memref_slice %arg10[%dma_wait3A, %dma_wait3A_78, %dma_wait3A_79] : memref<1x4x8192xf32, #tpu.memory_space<vmem>> -> memref<1x4x8192xf32, #tpu.memory_space<vmem>>
      %dma_wait3A_81 = tpu.memref_squeeze %dma_wait3A_80 : memref<1x4x8192xf32, #tpu.memory_space<vmem>> -> memref<4x8192xf32, #tpu.memory_space<vmem>>
      %dma_wait3A_82 = arith.constant 0 : i32
      %dma_wait3A_83 = tpu.memref_slice %arg7[%mul3A_75, %dma_wait3A_82] : memref<64x4xi32, #tpu.memory_space<vmem>> -> memref<1x4xi32, #tpu.memory_space<vmem>>
      %dma_wait3A_84 = tpu.memref_squeeze %dma_wait3A_83 : memref<1x4xi32, #tpu.memory_space<vmem>> -> memref<4xi32, #tpu.memory_space<vmem>>
      %dma_wait3A_85 = arith.constant 0 : i32
      %dma_wait3A_86 = arith.constant 0 : i32
      %dma_wait3A_87 = tpu.memref_slice %arg4[%dma_wait3A_85, %dma_wait3A_86] : memref<8192x8192xf32, #tpu.memory_space<hbm>> -> memref<8192x8192xf32, #tpu.memory_space<hbm>>
      tpu.wait_indirect_dma semaphore(%arg12 : memref<!tpu.dma_semaphore, #tpu.memory_space<semaphore_mem>>) src(%dma_wait3A_87 : memref<8192x8192xf32, #tpu.memory_space<hbm>>) dst(%dma_wait3A_81 : memref<4x8192xf32, #tpu.memory_space<vmem>>)
      %mul3A_88 = arith.constant 4 : i32
      %mul3A_89 = arith.muli %mul3A_75, %mul3A_88 : i32
      %add3A_90 = arith.addi %mul3A_34, %mul3A_89 : i32
      %dma_start3A_91 = arith.constant 0 : i32
      %dma_start3A_92 = tpu.memref_slice %arg5[%select_n3A, %add3A_90, %dma_start3A_91] : memref<4x2048x8192xf32, #tpu.memory_space<hbm>> -> memref<1x4x8192xf32, #tpu.memory_space<hbm>>
      %dma_start3A_93 = arith.constant 0 : i32
      %dma_start3A_94 = tpu.memref_slice %arg5[%select_n3A, %add3A_90, %dma_start3A_93] : memref<4x2048x8192xf32, #tpu.memory_space<hbm>> -> memref<1x4x8192xf32, #tpu.memory_space<hbm>>
      tpu.enqueue_dma source(%arg10 : memref<1x4x8192xf32, #tpu.memory_space<vmem>>) target(%dma_start3A_94 : memref<1x4x8192xf32, #tpu.memory_space<hbm>>) target_semaphore(%arg14 : memref<!tpu.dma_semaphore, #tpu.memory_space<semaphore_mem>>)
      %mul3A_95 = arith.constant 4 : i32
      %mul3A_96 = arith.muli %mul3A_75, %mul3A_95 : i32
      %get3A = arith.index_cast %mul3A_96 : i32 to index
      %get3A_97 = tpu.vector_load %arg8[%get3A] {strides = array<i32>} : memref<272xi32, #tpu.memory_space<vmem>>, vector<16xi32>,
      %jit3A_98 = arith.constant 4 : i32
      %eq3A_99 = arith.constant 0 : i32
      %eq3A_100 = arith.cmpi eq, %jit3A_98, %eq3A_99 : i32
      %jit3A_101 = arith.constant 1 : i32
      %select_n3A_102 = arith.select %eq3A_100, %jit3A_101, %jit3A_98 : i32
      %rem3A_103 = vector.broadcast %select_n3A_102 : i32 to vector<16xi32>
      %rem3A_104 = arith.remsi %iota3A, %rem3A_103 : vector<16xi32>
      %ne3A_105 = arith.constant 0 : i32
      %ne3A_106 = vector.broadcast %ne3A_105 : i32 to vector<16xi32>
      %ne3A_107 = arith.cmpi ne, %rem3A_104, %ne3A_106 : vector<16xi32>
      %lt3A_108 = arith.constant 0 : i32
      %lt3A_109 = vector.broadcast %lt3A_108 : i32 to vector<16xi32>
      %lt3A_110 = arith.cmpi slt, %rem3A_104, %lt3A_109 : vector<16xi32>
      %lt3A_111 = arith.constant 0 : i32
      %lt3A_112 = arith.cmpi slt, %select_n3A_102, %lt3A_111 : i32
      %ne3A_113 = vector.broadcast %lt3A_112 : i1 to vector<16xi1>
      %ne3A_114 = vector.broadcast %ne3A_113 : vector<16xi1> to vector<16xi1>
      %ne3A_115 = arith.xori %lt3A_110, %ne3A_114 : vector<16xi1>
      %and3A_116 = arith.andi %ne3A_115, %ne3A_107 : vector<16xi1>
      %add3A_117 = vector.broadcast %select_n3A_102 : i32 to vector<16xi32>
      %add3A_118 = arith.addi %rem3A_104, %add3A_117 : vector<16xi32>
      %select_n3A_119 = arith.select %and3A_116, %add3A_118, %rem3A_104 : vector<16xi1>, vector<16xi32>
      %gather3A = arith.constant 0 : i32
      %gather3A_120 = arith.constant 0 : i32
      %gather3A_121 = arith.constant 0 : i32
      %gather3A_122 = tpu.memref_slice %arg10[%gather3A, %gather3A_120, %gather3A_121] : memref<1x4x8192xf32, #tpu.memory_space<vmem>> -> memref<1x4x8192xf32, #tpu.memory_space<vmem>>
      %gather3A_123 = tpu.memref_squeeze %gather3A_122 : memref<1x4x8192xf32, #tpu.memory_space<vmem>> -> memref<4x8192xf32, #tpu.memory_space<vmem>>
      %gather3A_124 = tpu.vector_load_idx %gather3A_123[%select_n3A_119, %get3A_97] masked %lt3A_45 : memref<4x8192xf32, #tpu.memory_space<vmem>>[vector<16xi32>, vector<16xi32>], vector<16xf32>, vector<16xi1>
      %get3A_125 = arith.constant 0 : index
      %get3A_126 = tpu.vector_load %arg9[%get3A_125] {strides = array<i32>} : memref<16xf32, #tpu.memory_space<vmem>>, vector<16xf32>,
      %jit3A_127 = arith.constant 0.000000e+00 : f32
      %broadcast_in_dim3A_128 = vector.broadcast %jit3A_127 : f32 to vector<16xf32>
      %select_n3A_129 = arith.select %lt3A_45, %gather3A_124, %broadcast_in_dim3A_128 : vector<16xi1>, vector<16xf32>
      %add3A_130 = arith.addf %get3A_126, %select_n3A_129 : vector<16xf32>
      %swap3A_131 = arith.constant 0 : index
      %swap3A_132 = tpu.vector_load %arg9[%swap3A_131] {strides = array<i32>} : memref<16xf32, #tpu.memory_space<vmem>>, vector<16xf32>,
      tpu.vector_store %arg9[%swap3A_131], %add3A_130 {strides = array<i32>} : memref<16xf32, #tpu.memory_space<vmem>>, vector<16xf32>,
      %dma_wait3A_133 = arith.constant 0 : i32
      %dma_wait3A_134 = tpu.memref_slice %arg5[%select_n3A, %add3A_90, %dma_wait3A_133] : memref<4x2048x8192xf32, #tpu.memory_space<hbm>> -> memref<1x4x8192xf32, #tpu.memory_space<hbm>>
      %dma_wait3A_135 = arith.constant 0 : i32
      %dma_wait3A_136 = tpu.memref_slice %arg5[%select_n3A, %add3A_90, %dma_wait3A_135] : memref<4x2048x8192xf32, #tpu.memory_space<hbm>> -> memref<1x4x8192xf32, #tpu.memory_space<hbm>>
      tpu.wait_dma2 semaphore(%arg14 : memref<!tpu.dma_semaphore, #tpu.memory_space<semaphore_mem>>) src(%arg10 : memref<1x4x8192xf32, #tpu.memory_space<vmem>>) dst(%dma_wait3A_136 : memref<1x4x8192xf32, #tpu.memory_space<hbm>>)
      %add3A_137 = arith.constant 2 : i32
      %add3A_138 = arith.addi %mul3A_75, %add3A_137 : i32
      %lt3A_139 = arith.constant 64 : i32
      %lt3A_140 = arith.cmpi slt, %add3A_138, %lt3A_139 : i32
      %convert_element_type3A = arith.extui %lt3A_140 : i1 to i32
      %cond3A = arith.constant 0 : i32
      %cond3A_141 = arith.cmpi ne, %convert_element_type3A, %cond3A : i32
      scf.if %cond3A_141 {
        %add3A_211 = arith.constant 2 : i32
        %add3A_212 = arith.addi %mul3A_75, %add3A_211 : i32
        %dma_start3A_213 = arith.constant 0 : i32
        %dma_start3A_214 = arith.constant 0 : i32
        %dma_start3A_215 = arith.constant 0 : i32
        %dma_start3A_216 = tpu.memref_slice %arg10[%dma_start3A_213, %dma_start3A_214, %dma_start3A_215] : memref<1x4x8192xf32, #tpu.memory_space<vmem>> -> memref<1x4x8192xf32, #tpu.memory_space<vmem>>
        %dma_start3A_217 = tpu.memref_squeeze %dma_start3A_216 : memref<1x4x8192xf32, #tpu.memory_space<vmem>> -> memref<4x8192xf32, #tpu.memory_space<vmem>>
        %dma_start3A_218 = arith.constant 0 : i32
        %dma_start3A_219 = tpu.memref_slice %arg7[%add3A_212, %dma_start3A_218] : memref<64x4xi32, #tpu.memory_space<vmem>> -> memref<1x4xi32, #tpu.memory_space<vmem>>
        %dma_start3A_220 = tpu.memref_squeeze %dma_start3A_219 : memref<1x4xi32, #tpu.memory_space<vmem>> -> memref<4xi32, #tpu.memory_space<vmem>>
        %dma_start3A_221 = arith.constant 0 : i32
        %dma_start3A_222 = arith.constant 0 : i32
        %dma_start3A_223 = tpu.memref_slice %arg4[%dma_start3A_221, %dma_start3A_222] : memref<8192x8192xf32, #tpu.memory_space<hbm>> -> memref<8192x8192xf32, #tpu.memory_space<hbm>>
        tpu.enqueue_indirect_dma source(%dma_start3A_223 : memref<8192x8192xf32, #tpu.memory_space<hbm>>) target(%dma_start3A_217 : memref<4x8192xf32, #tpu.memory_space<vmem>>) offsets(%dma_start3A_220 : memref<4xi32, #tpu.memory_space<vmem>>) semaphore(%arg12 : memref<!tpu.dma_semaphore, #tpu.memory_space<semaphore_mem>>)
      } else {
      }
      %dma_wait3A_142 = arith.constant 0 : i32
      %dma_wait3A_143 = arith.constant 0 : i32
      %dma_wait3A_144 = arith.constant 0 : i32
      %dma_wait3A_145 = tpu.memref_slice %arg11[%dma_wait3A_142, %dma_wait3A_143, %dma_wait3A_144] : memref<1x4x8192xf32, #tpu.memory_space<vmem>> -> memref<1x4x8192xf32, #tpu.memory_space<vmem>>
      %dma_wait3A_146 = tpu.memref_squeeze %dma_wait3A_145 : memref<1x4x8192xf32, #tpu.memory_space<vmem>> -> memref<4x8192xf32, #tpu.memory_space<vmem>>
      %dma_wait3A_147 = arith.constant 0 : i32
      %dma_wait3A_148 = tpu.memref_slice %arg7[%add3A_77, %dma_wait3A_147] : memref<64x4xi32, #tpu.memory_space<vmem>> -> memref<1x4xi32, #tpu.memory_space<vmem>>
      %dma_wait3A_149 = tpu.memref_squeeze %dma_wait3A_148 : memref<1x4xi32, #tpu.memory_space<vmem>> -> memref<4xi32, #tpu.memory_space<vmem>>
      %dma_wait3A_150 = arith.constant 0 : i32
      %dma_wait3A_151 = arith.constant 0 : i32
      %dma_wait3A_152 = tpu.memref_slice %arg4[%dma_wait3A_150, %dma_wait3A_151] : memref<8192x8192xf32, #tpu.memory_space<hbm>> -> memref<8192x8192xf32, #tpu.memory_space<hbm>>
      tpu.wait_indirect_dma semaphore(%arg13 : memref<!tpu.dma_semaphore, #tpu.memory_space<semaphore_mem>>) src(%dma_wait3A_152 : memref<8192x8192xf32, #tpu.memory_space<hbm>>) dst(%dma_wait3A_146 : memref<4x8192xf32, #tpu.memory_space<vmem>>)
      %mul3A_153 = arith.constant 4 : i32
      %mul3A_154 = arith.muli %add3A_77, %mul3A_153 : i32
      %add3A_155 = arith.addi %mul3A_34, %mul3A_154 : i32
      %dma_start3A_156 = arith.constant 0 : i32
      %dma_start3A_157 = tpu.memref_slice %arg5[%select_n3A, %add3A_155, %dma_start3A_156] : memref<4x2048x8192xf32, #tpu.memory_space<hbm>> -> memref<1x4x8192xf32, #tpu.memory_space<hbm>>
      %dma_start3A_158 = arith.constant 0 : i32
      %dma_start3A_159 = tpu.memref_slice %arg5[%select_n3A, %add3A_155, %dma_start3A_158] : memref<4x2048x8192xf32, #tpu.memory_space<hbm>> -> memref<1x4x8192xf32, #tpu.memory_space<hbm>>
      tpu.enqueue_dma source(%arg11 : memref<1x4x8192xf32, #tpu.memory_space<vmem>>) target(%dma_start3A_159 : memref<1x4x8192xf32, #tpu.memory_space<hbm>>) target_semaphore(%arg15 : memref<!tpu.dma_semaphore, #tpu.memory_space<semaphore_mem>>)
      %mul3A_160 = arith.constant 4 : i32
      %mul3A_161 = arith.muli %add3A_77, %mul3A_160 : i32
      %get3A_162 = arith.index_cast %mul3A_161 : i32 to index
      %get3A_163 = tpu.vector_load %arg8[%get3A_162] {strides = array<i32>} : memref<272xi32, #tpu.memory_space<vmem>>, vector<16xi32>,
      %jit3A_164 = arith.constant 4 : i32
      %eq3A_165 = arith.constant 0 : i32
      %eq3A_166 = arith.cmpi eq, %jit3A_164, %eq3A_165 : i32
      %jit3A_167 = arith.constant 1 : i32
      %select_n3A_168 = arith.select %eq3A_166, %jit3A_167, %jit3A_164 : i32
      %rem3A_169 = vector.broadcast %select_n3A_168 : i32 to vector<16xi32>
      %rem3A_170 = arith.remsi %iota3A, %rem3A_169 : vector<16xi32>
      %ne3A_171 = arith.constant 0 : i32
      %ne3A_172 = vector.broadcast %ne3A_171 : i32 to vector<16xi32>
      %ne3A_173 = arith.cmpi ne, %rem3A_170, %ne3A_172 : vector<16xi32>
      %lt3A_174 = arith.constant 0 : i32
      %lt3A_175 = vector.broadcast %lt3A_174 : i32 to vector<16xi32>
      %lt3A_176 = arith.cmpi slt, %rem3A_170, %lt3A_175 : vector<16xi32>
      %lt3A_177 = arith.constant 0 : i32
      %lt3A_178 = arith.cmpi slt, %select_n3A_168, %lt3A_177 : i32
      %ne3A_179 = vector.broadcast %lt3A_178 : i1 to vector<16xi1>
      %ne3A_180 = vector.broadcast %ne3A_179 : vector<16xi1> to vector<16xi1>
      %ne3A_181 = arith.xori %lt3A_176, %ne3A_180 : vector<16xi1>
      %and3A_182 = arith.andi %ne3A_181, %ne3A_173 : vector<16xi1>
      %add3A_183 = vector.broadcast %select_n3A_168 : i32 to vector<16xi32>
      %add3A_184 = arith.addi %rem3A_170, %add3A_183 : vector<16xi32>
      %select_n3A_185 = arith.select %and3A_182, %add3A_184, %rem3A_170 : vector<16xi1>, vector<16xi32>
      %gather3A_186 = arith.constant 0 : i32
      %gather3A_187 = arith.constant 0 : i32
      %gather3A_188 = arith.constant 0 : i32
      %gather3A_189 = tpu.memref_slice %arg11[%gather3A_186, %gather3A_187, %gather3A_188] : memref<1x4x8192xf32, #tpu.memory_space<vmem>> -> memref<1x4x8192xf32, #tpu.memory_space<vmem>>
      %gather3A_190 = tpu.memref_squeeze %gather3A_189 : memref<1x4x8192xf32, #tpu.memory_space<vmem>> -> memref<4x8192xf32, #tpu.memory_space<vmem>>
      %gather3A_191 = tpu.vector_load_idx %gather3A_190[%select_n3A_185, %get3A_163] masked %lt3A_45 : memref<4x8192xf32, #tpu.memory_space<vmem>>[vector<16xi32>, vector<16xi32>], vector<16xf32>, vector<16xi1>
      %get3A_192 = arith.constant 0 : index
      %get3A_193 = tpu.vector_load %arg9[%get3A_192] {strides = array<i32>} : memref<16xf32, #tpu.memory_space<vmem>>, vector<16xf32>,
      %jit3A_194 = arith.constant 0.000000e+00 : f32
      %broadcast_in_dim3A_195 = vector.broadcast %jit3A_194 : f32 to vector<16xf32>
      %select_n3A_196 = arith.select %lt3A_45, %gather3A_191, %broadcast_in_dim3A_195 : vector<16xi1>, vector<16xf32>
      %add3A_197 = arith.addf %get3A_193, %select_n3A_196 : vector<16xf32>
      %swap3A_198 = arith.constant 0 : index
      %swap3A_199 = tpu.vector_load %arg9[%swap3A_198] {strides = array<i32>} : memref<16xf32, #tpu.memory_space<vmem>>, vector<16xf32>,
      tpu.vector_store %arg9[%swap3A_198], %add3A_197 {strides = array<i32>} : memref<16xf32, #tpu.memory_space<vmem>>, vector<16xf32>,
      %dma_wait3A_200 = arith.constant 0 : i32
      %dma_wait3A_201 = tpu.memref_slice %arg5[%select_n3A, %add3A_155, %dma_wait3A_200] : memref<4x2048x8192xf32, #tpu.memory_space<hbm>> -> memref<1x4x8192xf32, #tpu.memory_space<hbm>>
      %dma_wait3A_202 = arith.constant 0 : i32
      %dma_wait3A_203 = tpu.memref_slice %arg5[%select_n3A, %add3A_155, %dma_wait3A_202] : memref<4x2048x8192xf32, #tpu.memory_space<hbm>> -> memref<1x4x8192xf32, #tpu.memory_space<hbm>>
      tpu.wait_dma2 semaphore(%arg15 : memref<!tpu.dma_semaphore, #tpu.memory_space<semaphore_mem>>) src(%arg11 : memref<1x4x8192xf32, #tpu.memory_space<vmem>>) dst(%dma_wait3A_203 : memref<1x4x8192xf32, #tpu.memory_space<hbm>>)
      %add3A_204 = arith.constant 2 : i32
      %add3A_205 = arith.addi %add3A_77, %add3A_204 : i32
      %lt3A_206 = arith.constant 64 : i32
      %lt3A_207 = arith.cmpi slt, %add3A_205, %lt3A_206 : i32
      %convert_element_type3A_208 = arith.extui %lt3A_207 : i1 to i32
      %cond3A_209 = arith.constant 0 : i32
      %cond3A_210 = arith.cmpi ne, %convert_element_type3A_208, %cond3A_209 : i32
      scf.if %cond3A_210 {
        %add3A_211 = arith.constant 2 : i32
        %add3A_212 = arith.addi %add3A_77, %add3A_211 : i32
        %dma_start3A_213 = arith.constant 0 : i32
        %dma_start3A_214 = arith.constant 0 : i32
        %dma_start3A_215 = arith.constant 0 : i32
        %dma_start3A_216 = tpu.memref_slice %arg11[%dma_start3A_213, %dma_start3A_214, %dma_start3A_215] : memref<1x4x8192xf32, #tpu.memory_space<vmem>> -> memref<1x4x8192xf32, #tpu.memory_space<vmem>>
        %dma_start3A_217 = tpu.memref_squeeze %dma_start3A_216 : memref<1x4x8192xf32, #tpu.memory_space<vmem>> -> memref<4x8192xf32, #tpu.memory_space<vmem>>
        %dma_start3A_218 = arith.constant 0 : i32
        %dma_start3A_219 = tpu.memref_slice %arg7[%add3A_212, %dma_start3A_218] : memref<64x4xi32, #tpu.memory_space<vmem>> -> memref<1x4xi32, #tpu.memory_space<vmem>>
        %dma_start3A_220 = tpu.memref_squeeze %dma_start3A_219 : memref<1x4xi32, #tpu.memory_space<vmem>> -> memref<4xi32, #tpu.memory_space<vmem>>
        %dma_start3A_221 = arith.constant 0 : i32
        %dma_start3A_222 = arith.constant 0 : i32
        %dma_start3A_223 = tpu.memref_slice %arg4[%dma_start3A_221, %dma_start3A_222] : memref<8192x8192xf32, #tpu.memory_space<hbm>> -> memref<8192x8192xf32, #tpu.memory_space<hbm>>
        tpu.enqueue_indirect_dma source(%dma_start3A_223 : memref<8192x8192xf32, #tpu.memory_space<hbm>>) target(%dma_start3A_217 : memref<4x8192xf32, #tpu.memory_space<vmem>>) offsets(%dma_start3A_220 : memref<4xi32, #tpu.memory_space<vmem>>) semaphore(%arg13 : memref<!tpu.dma_semaphore, #tpu.memory_space<semaphore_mem>>)
      } else {
      }
    }
    %scan3A_72 = arith.constant 32 : i32
    "tpu.region"() ({
      %run_scoped3A = tpu.sem_alloc : memref<!tpu.dma_semaphore, #tpu.memory_space<semaphore_mem>>
      %dma_start3A_73 = arith.constant 0 : i32
      %dma_start3A_74 = tpu.memref_slice %arg6[%add3A, %dma_start3A_73] : memref<32x16xf32, #tpu.memory_space<hbm>> -> memref<1x16xf32, #tpu.memory_space<hbm>>
      %dma_start3A_75 = tpu.memref_squeeze %dma_start3A_74 : memref<1x16xf32, #tpu.memory_space<hbm>> -> memref<16xf32, #tpu.memory_space<hbm>>
      %dma_start3A_76 = arith.constant 0 : i32
      %dma_start3A_77 = tpu.memref_slice %arg6[%add3A, %dma_start3A_76] : memref<32x16xf32, #tpu.memory_space<hbm>> -> memref<1x16xf32, #tpu.memory_space<hbm>>
      %dma_start3A_78 = tpu.memref_squeeze %dma_start3A_77 : memref<1x16xf32, #tpu.memory_space<hbm>> -> memref<16xf32, #tpu.memory_space<hbm>>
      tpu.enqueue_dma source(%arg9 : memref<16xf32, #tpu.memory_space<vmem>>) target(%dma_start3A_78 : memref<16xf32, #tpu.memory_space<hbm>>) target_semaphore(%run_scoped3A : memref<!tpu.dma_semaphore, #tpu.memory_space<semaphore_mem>>)
      %dma_wait3A = arith.constant 0 : i32
      %dma_wait3A_79 = tpu.memref_slice %arg6[%add3A, %dma_wait3A] : memref<32x16xf32, #tpu.memory_space<hbm>> -> memref<1x16xf32, #tpu.memory_space<hbm>>
      %dma_wait3A_80 = tpu.memref_squeeze %dma_wait3A_79 : memref<1x16xf32, #tpu.memory_space<hbm>> -> memref<16xf32, #tpu.memory_space<hbm>>
      %dma_wait3A_81 = arith.constant 0 : i32
      %dma_wait3A_82 = tpu.memref_slice %arg6[%add3A, %dma_wait3A_81] : memref<32x16xf32, #tpu.memory_space<hbm>> -> memref<1x16xf32, #tpu.memory_space<hbm>>
      %dma_wait3A_83 = tpu.memref_squeeze %dma_wait3A_82 : memref<1x16xf32, #tpu.memory_space<hbm>> -> memref<16xf32, #tpu.memory_space<hbm>>
      tpu.wait_dma2 semaphore(%run_scoped3A : memref<!tpu.dma_semaphore, #tpu.memory_space<semaphore_mem>>) src(%arg9 : memref<16xf32, #tpu.memory_space<vmem>>) dst(%dma_wait3A_83 : memref<16xf32, #tpu.memory_space<hbm>>)
      tpu.yield
    }) : () -> ()
    return
  }
}

module attributes {stable_mosaic.version = 14 : i64} {
  func.func @_sweep_body(%arg0: i32, %arg1: memref<256x8192xf32, #tpu.memory_space<vmem>>, %arg2: memref<1x1x256xf32, #tpu.memory_space<vmem>>) attributes {dimension_semantics = [#tpu.dimension_semantics<arbitrary>], iteration_bounds = array<i64: 32>, scalar_prefetch = 0 : i64, scratch_operands = 0 : i64, tpu.core_type = #tpu.core_type<tc>, window_params = [{transform_indices = @transform_0, window_bounds = array<i64: 256, 8192>}, {transform_indices = @transform_1, window_bounds = array<i64: 1, 1, 256>}]} {
    %get3A = arith.constant 0 : index
    %get3A_0 = arith.constant 0 : index
    %get3A_1 = vector.load %arg1[%get3A, %get3A_0] : memref<256x8192xf32, #tpu.memory_space<vmem>>, vector<256x8192xf32>
    %exp3A = math.exp %get3A_1 : vector<256x8192xf32>
    %reduce_sum3A = arith.constant dense<0.000000e+00> : vector<256xf32>
    %reduce_sum3A_2 = vector.multi_reduction <add>, %exp3A, %reduce_sum3A [1] : vector<256x8192xf32> to vector<256xf32>
    %log3A = math.log %reduce_sum3A_2 : vector<256xf32>
    %reshape3A = vector.shape_cast %log3A : vector<256xf32> to vector<1x1x256xf32>
    %swap3A = arith.constant 0 : index
    %swap3A_3 = arith.constant 0 : index
    %swap3A_4 = arith.constant 0 : index
    %swap3A_5 = vector.load %arg2[%swap3A, %swap3A_3, %swap3A_4] : memref<1x1x256xf32, #tpu.memory_space<vmem>>, vector<1x1x256xf32>
    tpu.vector_store %arg2[%swap3A, %swap3A_3, %swap3A_4], %reshape3A {strides = array<i32>} : memref<1x1x256xf32, #tpu.memory_space<vmem>>, vector<1x1x256xf32>,
    return
  }
  func.func @transform_0(%arg0: i32) -> (i32, i32) {
    %c0_i32 = arith.constant 0 : i32
    %c0_i32_0 = arith.constant 0 : i32
    return %arg0, %c0_i32 : i32, i32
  }
  func.func @transform_1(%arg0: i32) -> (i32, i32, i32) {
    %c0_i32 = arith.constant 0 : i32
    %c0_i32_0 = arith.constant 0 : i32
    %c0_i32_1 = arith.constant 0 : i32
    return %arg0, %c0_i32, %c0_i32_0 : i32, i32, i32
  }
}

module attributes {stable_mosaic.version = 14 : i64} {
  func.func @_finish_body(%arg0: memref<8192xf32, #tpu.memory_space<smem>>, %arg1: memref<8192xi32, #tpu.memory_space<smem>>, %arg2: memref<32x16xf32, #tpu.memory_space<vmem>>, %arg3: memref<1x1xf32, #tpu.memory_space<smem>>) attributes {dimension_semantics = [], scalar_prefetch = 0 : i64, scratch_operands = 0 : i64, tpu.core_type = #tpu.core_type<tc>} {
    %get3A = arith.constant 0 : index
    %get3A_0 = arith.constant 0 : index
    %get3A_1 = vector.load %arg2[%get3A, %get3A_0] : memref<32x16xf32, #tpu.memory_space<vmem>>, vector<32x16xf32>
    %reduce_sum3A = vector.shape_cast %get3A_1 : vector<32x16xf32> to vector<1x32x16xf32>
    %reduce_sum3A_2 = arith.constant dense<0.000000e+00> : vector<1xf32>
    %reduce_sum3A_3 = vector.multi_reduction <add>, %reduce_sum3A, %reduce_sum3A_2 [1, 2] : vector<1x32x16xf32> to vector<1xf32>
    %reduce_sum3A_4 = vector.shape_cast %reduce_sum3A_3 : vector<1xf32> to vector<1x1x1xf32>
    %reduce_sum3A_5 = vector.extract %reduce_sum3A_4[0, 0, 0] : f32 from vector<1x1x1xf32>
    %scan3A = arith.constant 0.000000e+00 : f32
    %scan3A_6 = arith.constant 0.000000e+00 : f32
    %scan3A_7 = arith.constant 0.000000e+00 : f32
    %scan3A_8 = arith.constant 0.000000e+00 : f32
    %scan3A_9 = arith.constant 0 : i32
    %scan3A_10 = arith.constant 2048 : i32
    %scan3A_11 = arith.addi %scan3A_9, %scan3A_10 : i32
    %scan3A_12 = arith.constant 1 : i32
    %scan3A_13:4 = scf.for %scan3A_20 = %scan3A_9 to %scan3A_11 step %scan3A_12 iter_args(%scan3A_21 = %scan3A, %scan3A_22 = %scan3A_6, %scan3A_23 = %scan3A_7, %scan3A_24 = %scan3A_8) -> (f32, f32, f32, f32)  : i32 {
      %mul3A = arith.constant 4 : i32
      %mul3A_25 = arith.muli %mul3A, %scan3A_20 : i32
      %get3A_26 = arith.index_cast %mul3A_25 : i32 to index
      %get3A_27 = memref.load %arg1[%get3A_26] : memref<8192xi32, #tpu.memory_space<smem>>
      %get3A_28 = arith.index_cast %get3A_27 : i32 to index
      %get3A_29 = memref.load %arg0[%get3A_28] : memref<8192xf32, #tpu.memory_space<smem>>
      %add3A_30 = arith.addf %scan3A_21, %get3A_29 : f32
      %mul3A_31 = arith.constant 4 : i32
      %mul3A_32 = arith.muli %mul3A_31, %scan3A_20 : i32
      %add3A_33 = arith.constant 1 : i32
      %add3A_34 = arith.addi %mul3A_32, %add3A_33 : i32
      %get3A_35 = arith.index_cast %add3A_34 : i32 to index
      %get3A_36 = memref.load %arg1[%get3A_35] : memref<8192xi32, #tpu.memory_space<smem>>
      %get3A_37 = arith.index_cast %get3A_36 : i32 to index
      %get3A_38 = memref.load %arg0[%get3A_37] : memref<8192xf32, #tpu.memory_space<smem>>
      %add3A_39 = arith.addf %scan3A_22, %get3A_38 : f32
      %mul3A_40 = arith.constant 4 : i32
      %mul3A_41 = arith.muli %mul3A_40, %scan3A_20 : i32
      %add3A_42 = arith.constant 2 : i32
      %add3A_43 = arith.addi %mul3A_41, %add3A_42 : i32
      %get3A_44 = arith.index_cast %add3A_43 : i32 to index
      %get3A_45 = memref.load %arg1[%get3A_44] : memref<8192xi32, #tpu.memory_space<smem>>
      %get3A_46 = arith.index_cast %get3A_45 : i32 to index
      %get3A_47 = memref.load %arg0[%get3A_46] : memref<8192xf32, #tpu.memory_space<smem>>
      %add3A_48 = arith.addf %scan3A_23, %get3A_47 : f32
      %mul3A_49 = arith.constant 4 : i32
      %mul3A_50 = arith.muli %mul3A_49, %scan3A_20 : i32
      %add3A_51 = arith.constant 3 : i32
      %add3A_52 = arith.addi %mul3A_50, %add3A_51 : i32
      %get3A_53 = arith.index_cast %add3A_52 : i32 to index
      %get3A_54 = memref.load %arg1[%get3A_53] : memref<8192xi32, #tpu.memory_space<smem>>
      %get3A_55 = arith.index_cast %get3A_54 : i32 to index
      %get3A_56 = memref.load %arg0[%get3A_55] : memref<8192xf32, #tpu.memory_space<smem>>
      %add3A_57 = arith.addf %scan3A_24, %get3A_56 : f32
      scf.yield %add3A_30, %add3A_39, %add3A_48, %add3A_57 : f32, f32, f32, f32
    }
    %scan3A_14 = arith.constant 2048 : i32
    %add3A = arith.addf %scan3A_13#0, %scan3A_13#1 : f32
    %add3A_15 = arith.addf %add3A, %scan3A_13#2 : f32
    %add3A_16 = arith.addf %add3A_15, %scan3A_13#3 : f32
    %sub3A = arith.subf %add3A_16, %reduce_sum3A_5 : f32
    %div3A = arith.constant 8.192000e+03 : f32
    %div3A_17 = arith.divf %sub3A, %div3A : f32
    %swap3A = arith.constant 0 : index
    %swap3A_18 = arith.constant 0 : index
    %swap3A_19 = memref.load %arg3[%swap3A, %swap3A_18] : memref<1x1xf32, #tpu.memory_space<smem>>
    memref.store %div3A_17, %arg3[%swap3A, %swap3A_18] : memref<1x1xf32, #tpu.memory_space<smem>>
    return
  }
}

</mosaic_0001>

<sc_bundles>
// kernel: kernel.5.cloned.1.call-start
scs
__scs_entry_jumppad:
0x0: {  	(pc) =	sbr.rel $0x88, $3  }
0x1: {  	(tag) =	ssettag $0x0;
	lr =	simm.s32 $0x1  }
0x2: {  	[smem:$0x3F9E] =	sst lr;
	_ =	strace $0xD0000000  }
0x3: {  	_ = 	snop  }
0x4: {  	_ = 	snop  }
0x5: {  	_ = 	snop  }
0x6: {  	_ = 	snop  }
0x7: {  	_ = 	snop  }
__scs_overlays_trampoline_lowered:
0x8: {  	[smem:$0x3FAD] =	sst s0  }
0x9: {  	[smem:$0x3FAE] =	sst s1  }
0xa: {  	[smem:$0x3FAF] =	sst s2  }
0xb: {  	[smem:$0x3FB0] =	sst s3  }
0xc: {  	[smem:$0x3FB1] =	sst s4  }
0xd: {  	[smem:$0x3FB2] =	sst s5  }
0xe: {  	[smem:$0x3FB3] =	sst s6  }
0xf: {  	[smem:$0x3FB4] =	sst s7  }
0x10: {  	[smem:$0x3FB5] =	sst s8  }
0x11: {  	[smem:$0x3FB6] =	sst s9;
	s0 =	simm.s32 @!p0 $0x0  }
0x12: {  	s1 =	sld [smem:$0x3F9C];
	s0 =	simm.s32 @p0 $0x1  }
0x13: {  	[smem:$0x3FB7] =	sst s0;
	s0 =	simm.s32 @!p1 $0x0  }
0x14: {  	s2 =	sld [smem:$0x3F9B];
	s0 =	simm.s32 @p1 $0x1  }
0x15: {  	[smem:$0x3FB8] =	sst s0;
	s0 =	simm.s32 @!p2 $0x0  }
0x16: {  	s3 =	sld [smem:$0x3FDB];
	s0 =	simm.s32 @p2 $0x1  }
0x17: {  	s4 =	simm.s32 $0x1BF5;
	[smem:$0x3FBA] =	sst s0  }
0x18: {  	s0 =	sld [smem:$0x3F9D];
	_ =	swait.ge [sflag:s4], $0x0  }
0x19: {  	s7 =	sld [smem:$0x3F9E]  }
0x1a: {  	s8 =	sadd.s32 $0xFFFFE003, lr  }
0x1b: {  	s9 =	sadd.s32 $0xFFFFFEF7, lr;
	s5 =	simm.s32 $0xFFFFFFFF;
	p2 =	slt.u32 s8, $0xFFFFF086  }
0x1c: {  	p1 =	slt.u32 s9, $0xF7A;
	s5 =	simm.s32 @!p2 $0x0  }
0x1d: {  	s5 =	simm.s32 @p1 $0x1;
	p0 =	seq.s32 s7, s2  }
0x1e: {  	s7 =	smul.u32 @!p0 $0xF7A, s2;
	p2 =	seq.s32 @!p0 s5, $0x0  }
0x1f: {  	s9 =	smul.u32 $0xF7A, s1;
	s8 =	simm.s32 @!p0 $0x1BF5;
	p2 =	por !p2, p0  }
0x20: {  	[sflag:s8] =	ssyncset.s32 @!p0 $0xFFFFF086;
	s6 =	sadd.s32 @!p0 s3, s7;
	s7 =	simm.s32 @!p0 $0x108  }
0x21: {  	s3 =	sadd.s32 s3, s9;
	s6 =	sadd.s32 @!p0 $0x88, s6;
	s7 =	simm.s32 @p2 $0x1082  }
0x22: {  	[simem:s7], [sflag:s8] =	dma.local @!p0 [hbm:s6], $0xF7A  }
0x23: {  	s9 =	sor.u32 $0xD0000000, s2;
	s6 =	simm.s32 $0x108;
	_ =	swait.ge @!p0 [sflag:s8], $0x0  }
0x24: {  	s3 =	sadd.s32 $0x88, s3;
	s6 =	simm.s32 @!p1 $0x1082;
	[sflag:s4] =	ssyncset.s32 $0xFFFFF086  }
0x25: {  	[simem:s6], [sflag:s4] =	dma.local [hbm:s3], $0xF7A  }
0x26: {  	[smem:$0x3F9E] =	sst s1;
	(tag) =	ssettag s2;
	_ =	strace s9  }
0x27: {  	s1 =	sld [smem:$0x3FAE]  }
0x28: {  	s2 =	sld [smem:$0x3FAF]  }
0x29: {  	s4 =	sld [smem:$0x3FB1]  }
0x2a: {  	p0 =	seq.s32 s5, $0x0;
	s5 =	sld [smem:$0x3FB2]  }
0x2b: {  	s6 =	sld [smem:$0x3FB3]  }
0x2c: {  	s7 =	sld [smem:$0x3FB4]  }
0x2d: {  	s3 =	simm.s32 $0x108;
	s8 =	sld [smem:$0x3FB5]  }
0x2e: {  	s3 =	simm.s32 @!p0 $0x1082;
	s9 =	sld [smem:$0x3FB6]  }
0x2f: {  	lr =	sadd.s32 s0, s3;
	s0 =	sld [smem:$0x3FAD]  }
0x30: {  	s3 =	sld [smem:$0x3FB0]  }
0x31: {  	[smem:$0x3FB9] =	sst s10  }
0x32: {  	s10 =	sld [smem:$0x3FB7];
	_ =	sdelay $0x3  }
0x33: {  	p0 =	seq.s32 s10, $0x1;
	s10 =	sld [smem:$0x3FB9];
	_ =	sdelay $0x3  }
0x34: {  	[smem:$0x3FB9] =	sst s10  }
0x35: {  	s10 =	sld [smem:$0x3FB8];
	_ =	sdelay $0x3  }
0x36: {  	p1 =	seq.s32 s10, $0x1;
	s10 =	sld [smem:$0x3FB9];
	_ =	sdelay $0x3  }
0x37: {  	[smem:$0x3FB9] =	sst s10  }
0x38: {  	s10 =	sld [smem:$0x3FBA]  }
0x39: {  	_ = 	snop;
	(pc) =	sbr.ind lr, $3  }
0x3a: {  	_ = 	snop  }
0x3b: {  	_ = 	snop  }
0x3c: {  	p2 =	seq.s32 s10, $0x1;
	s10 =	sld [smem:$0x3FB9]  }
0x3d: {  	_ =	shalt  }
0x3e: {  	_ =	shalt  }
0x3f: {  	_ =	shalt  }
0x40: {  	_ =	shalt  }
0x41: {  	_ =	shalt  }
0x42: {  	_ =	shalt  }
0x43: {  	_ =	shalt  }
0x44: {  	_ =	shalt  }
0x45: {  	_ =	shalt  }
0x46: {  	_ =	shalt  }
0x47: {  	_ =	shalt  }
0x48: {  	_ =	shalt  }
0x49: {  	_ =	shalt  }
0x4a: {  	_ =	shalt  }
0x4b: {  	_ =	shalt  }
0x4c: {  	_ =	shalt  }
0x4d: {  	_ =	shalt  }
0x4e: {  	_ =	shalt  }
0x4f: {  	_ =	shalt  }
0x50: {  	_ =	shalt  }
0x51: {  	_ =	shalt  }
0x52: {  	_ =	shalt  }
0x53: {  	_ =	shalt  }
0x54: {  	_ =	shalt  }
0x55: {  	_ =	shalt  }
0x56: {  	_ =	shalt  }
0x57: {  	_ =	shalt  }
0x58: {  	_ =	shalt  }
0x59: {  	_ =	shalt  }
0x5a: {  	_ =	shalt  }
0x5b: {  	_ =	shalt  }
0x5c: {  	_ =	shalt  }
0x5d: {  	_ =	shalt  }
0x5e: {  	_ =	shalt  }
0x5f: {  	_ =	shalt  }
0x60: {  	_ =	shalt  }
0x61: {  	_ =	shalt  }
0x62: {  	_ =	shalt  }
0x63: {  	_ =	shalt  }
0x64: {  	_ =	shalt  }
0x65: {  	_ =	shalt  }
0x66: {  	_ =	shalt  }
0x67: {  	_ =	shalt  }
0x68: {  	_ =	shalt  }
0x69: {  	_ =	shalt  }
0x6a: {  	_ =	shalt  }
0x6b: {  	_ =	shalt  }
0x6c: {  	_ =	shalt  }
0x6d: {  	_ =	shalt  }
0x6e: {  	_ =	shalt  }
0x6f: {  	_ =	shalt  }
0x70: {  	_ =	shalt  }
0x71: {  	_ =	shalt  }
0x72: {  	_ =	shalt  }
0x73: {  	_ =	shalt  }
0x74: {  	_ =	shalt  }
0x75: {  	_ =	shalt  }
0x76: {  	_ =	shalt  }
0x77: {  	_ =	shalt  }
0x78: {  	_ =	shalt  }
0x79: {  	_ =	shalt  }
0x7a: {  	_ =	shalt  }
0x7b: {  	_ =	shalt  }
0x7c: {  	_ =	shalt  }
0x7d: {  	_ =	shalt  }
0x7e: {  	_ =	shalt  }
0x7f: {  	_ =	shalt  }
0x80: {  	_ =	shalt  }
0x81: {  	_ =	shalt  }
0x82: {  	_ =	shalt  }
0x83: {  	_ =	shalt  }
0x84: {  	_ =	shalt  }
0x85: {  	_ =	shalt  }
0x86: {  	_ =	shalt  }
0x87: {  	_ =	shalt  }
.Lfunc_end0:
.L_simem_size_0:
called_computation_lowered:
.L_overlay_start_0:
0x88: {  	s2 =	sld [smem:$0x3FD9]  }
0x89: {  	s3 =	sld [smem:$0x3FFE];
	_ =	sdelay $0x1  }
0x8a: {  	s1 =	srdreg.scid  }
0x8b: {  	s0 =	sand.u32 $0x1, s1  }
0x8c: {  	s14 =	sshll.u32 s0, $0xA;
	s2 =	sadd.s32 s3, s2  }
0x8d: {  	s2 =	sadd.s32 s2, s14  }
0x8e: {  	[smem:$0x3FC5] =	sst s2  }
0x8f: {  	_ = 	snop  }
0x90: {  	s2 =	sld [smem:$0x3FD0];
	_ =	sdelay $0x2  }
0x91: {  	s4 =	simm.s32 $0xA;
	s5 =	simm.s32 $0x10;
	s15 =	sld [smem:$0x3FC7]  }
0x92: {  	[smem:s5], [sflag:s4] =	dma.local [hbm:s2], $0x1  }
0x93: {  	_ =	swait.eq [sflag:s4], $0x1  }
0x94: {  	[sflag:s4] =	ssyncset.done $0x0  }
0x95: {  	[sflag:s4] =	ssyncadd.s32 $0xFFFFFFFF  }
0x96: {  	s16 =	sld [smem:$0x10];
	(tm) =	ssettm $0x1  }
0x97: {  	s17 =	sld [smem:$0x3FFB];
	_ =	sdelay $0x3  }
0x98: {  	_ =	strace s17  }
0x99: {  	s4 =	sld [smem:$0x3FFC];
	_ =	sdelay $0x3  }
0x9a: {  	_ =	strace s4  }
0x9b: {  	s4 =	sld [smem:$0x3FFD];
	_ =	sdelay $0x3  }
0x9c: {  	_ =	strace s4  }
0x9d: {  	_ =	strace $0x8FFFFFFF  }
0x9e: {  	s18 =	sld [smem:$0x3FDB];
	_ =	sdelay $0x1  }
0x9f: {  	s19 =	simm.s32 $_scs_section_size  }
0xa0: {  	s6 =	simm.s32 $_size__tile_overlayer_lowered;
	s7 =	simm.s32 $_tile_overlayer_lowered  }
0xa1: {  	s22 =	simm.s32 $0x1BFF;
	s21 =	sshll.u32 s7, $0x1;
	s4 =	sadd.s32 s19, s18  }
0xa2: {  	s8 =	simm.s32 $0x0;
	s20 =	sshll.u32 s6, $0x1;
	s6 =	sadd.s32 s21, s4  }
0xa3: {  	[timem:s8], [sflag:s22] =	dma.local [hbm:s6], s20  }
0xa4: {  	_ =	swait.ge [sflag:s22], s20  }
0xa5: {  	s5 =	ssub.s32 $0x0, s20;
	[sflag:s22] =	ssyncset.done $0x0  }
0xa6: {  	[sflag:s22] =	ssyncadd.s32 s5;
	_ =	sdelay $0x1  }
0xa7: {  	s23 =	simm.s32 $0x1B8B  }
0xa8: {  	_ =	swait.ge [sflag:s23], $0x1  }
0xa9: {  	[sflag:s23] =	ssyncset.done $0x0  }
0xaa: {  	s25 =	simm.s32 $0x1B8E;
	s24 =	sld [smem:$0x3FFE];
	[sflag:s23] =	ssyncadd.s32 $0xFFFFFFFF  }
0xab: {  	s26 =	simm.s32 $execute0_lowered;
	[smem:$0x3FD2] =	sst s25  }
0xac: {  	s6 =	sshll.u32 s26, $0x1;
	_ =	strace $0x80000046;
	[dreg:$0x1] =	wrdreg $0xFFFFFFFF  }
0xad: {  	s28 =	simm.s32 $_size_execute0_lowered;
	s4 =	sadd.s32 s4, s6;
	[dreg:$0x0] =	wrdreg $0x0  }
0xae: {  	s6 =	sshll.u32 s28, $0x1;
	[dreg:$0x2] =	wrdreg s4  }
0xaf: {  	[dreg:$0x3] =	wrdreg s6  }
0xb0: {  	[dreg:$0x4] =	wrdreg $0xC0  }
0xb1: {  	_ =	task [dreg:s8], $0x5FFFF  }
0xb2: {  	[dreg:$0x1] =	wrdreg $0xFFFFFFFF  }
0xb3: {  	[dreg:$0x0] =	wrdreg $0x60  }
0xb4: {  	[dreg:$0x2] =	wrdreg s24  }
0xb5: {  	[dreg:$0x3] =	wrdreg s15  }
0xb6: {  	[dreg:$0x4] =	wrdreg s16  }
0xb7: {  	[dreg:$0x5] =	wrdreg $0x9  }
0xb8: {  	_ =	task.clear_ibuf [dreg:s8], $0x6FFFF;
	_ =	strace $0x90000046  }
0xb9: {  	s29 =	simm.s32 $0x9;
	_ =	strace $0x80000048  }
0xba: {  	_ =	swait.ge [sflag:s29], $0x1  }
0xbb: {  	[sflag:s29] =	ssyncadd.s32 $0xFFFFFFFF  }
0xbc: {  	_ =	strace $0x90000048  }
0xbd: {  	_ =	sfence  }
0xbe: {  	s30 =	sld [smem:$0x0];
	_ =	sdelay $0x2  }
0xbf: {  	s31 =	sshll.u32 s1, $0xD;
	s1 =	sshrl.u32 s1, $0x2  }
0xc0: {  	s3 =	sand.u32 $0x4000, s31;
	s1 =	sadd.s32 s1, s30  }
0xc1: {  	s0 =	sor.u32 s3, s0;
	s1 =	sshll.u32 s1, $0x11  }
0xc2: {  	s0 =	sor.u32 s1, s0  }
0xc3: {  	s0 =	sadd.s32 $0x8F2B, s0  }
0xc4: {  	[sflag:s0] =	ssyncadd.remote.s32 $0x1  }
0xc5: {  	_ =	sfence.sel $0xFFFF  }
0xc6: {  	[dreg:$0x0] =	wrdreg $0xFFFFFFFF;
	(pc) =	sbr.abs _section_cstart, $3  }
0xc7: {  	[dreg:$0x1] =	wrdreg $0xFFFFFFFF  }
0xc8: {  	_ =	task.clear_ibuf [dreg:s8], $0x2FFFF;
	_ =	strace $0x9FFFFFFF  }
0xc9: {  	(tm) =	ssettm $0x7FFFFFFF  }
tec
execute0_lowered:
.L_overlay_start_1:
0x0: {  	(tag) =	ssettag $0x1  }
0x1: {  	s0 =	rddreg [dreg:$0x0]  }
0x2: {  	s2 =	rddreg [dreg:$0x1];
	s1 =	srdreg.scid  }
0x3: {  	s17 =	stileid.u32;
	s4 =	rddreg [dreg:$0x2];
	s3 =	simm.s32 $0x0  }
0x4: {  	s22 =	simm.s32 $0x5;
	s29 =	simm.s32 $0xA200;
	s28 =	simm.s32 $0x400  }
0x5: {  	s21 =	simm.s32 $0x4;
	s23 =	simm.s32 $0x0;
	s1 =	sand.u32 $0x1, s1  }
0x6: {  	s5 =	sshll.u32 s17, $0x1;
	[smem:$0x7FF] =	sst s3;
	s10 =	sadd.s32 $0xA00, s2  }
0x7: {  	s11 =	sadd.s32 $0xC00, s2;
	s12 =	sadd.s32 $0xE00, s2;
	s13 =	sadd.s32 $0x1000, s2  }
0x8: {  	s14 =	sadd.s32 $0x1200, s2;
	s15 =	sadd.s32 $0x1400, s2;
	s16 =	sadd.s32 $0x1600, s2  }
0x9: {  	s18 =	sshll.u32 s17, $0x13;
	s17 =	sadd.s32 $0x1800, s2;
	s20 =	sadd.s32 $0x1E00, s2  }
0xa: {  	s5 =	sor.u32 s1, s5;
	_ =	strace $0x80000047;
	s7 =	ssub.s32 $0x2, s1  }
0xb: {  	s1 =	sshll.u32 s1, $0x12;
	s19 =	sand.u32 $0x600000, s18;
	s6 =	sshll.u32 s5, $0xA  }
0xc: {  	s8 =	sshll.u32 s5, $0x5;
	s5 =	sshll.u32 s5, $0x4;
	s9 =	sshrl.u32 s7, $0x1  }
0xd: {  	s1 =	sor.u32 s1, s18;
	s18 =	sadd.s32 $0x1A00, s2;
	s4 =	sadd.s32 s19, s4  }
0xe: {  	s19 =	sadd.s32 $0x1C00, s2;
	s6 =	sadd.s32 s6, s0;
	s8 =	sadd.s32 s8, s0  }
0xf: {  	s0 =	sadd.s32 s5, s0;
	s25 =	ssub.s32 s7, s9;
	s7 =	sadd.s32 $0x400, s2  }
0x10: {  	s9 =	sadd.s32 $0x800, s2;
	s1 =	sand.u32 $0x1C0000, s1;
	s5 =	simm.s32 $0x2  }
0x11: {  	s6 =	sadd.s32 $0xC00, s6;
	s26 =	sadd.s32 $0x8C00, s8;
	s8 =	sadd.s32 $0x600, s2  }
.Ltmp0:
0x12: {  	s1 =	sadd.s32 s1, s4;
	[dreg:$0x4] =	wrdreg s6;
	(pc) =	sbr.rel .LBB2_1-.Ltmp0, $4  }
0x13: {  	s0 =	sadd.s32 $0x9000, s0;
	s30 =	smax.u32 s25, $0x1;
	[dreg:$0x5] =	wrdreg s26  }
0x14: {  	v2 =	vlaneseq.u32;
	v0 =	vimm.s32 $0x0;
	v1 =	vimm.f32 $0.0e+00;
	s25 =	simm.s32 $0x200;
	s4 =	simm.s32 $0x3;
	[dreg:$0x6] =	wrdreg s0  }
0x15: {  	vm0 =	vmmov $0xffff;
	v3 =	vshrl.u32 v2, $0x2;
	v2 =	vand.u32 $0x3, v2;
	s6 =	sadd.s32 $0x200, s2;
	[dreg:$0x7] =	wrdreg s30;
	s31 =	sadd.s32 $0x40, s1  }
0x16: {  	vm1 =	vmmov $0xf;
	v3 =	vmul.u32 $0x8, v3;
	v4 =	vmul.u32 $0x80, v2;
	s26 =	simm.s32 $0x2200;
	s0 =	simm.s32 $0x1;
	[dreg:$0x8] =	wrdreg s31  }
.LBB2_4:
0x17: {  	s1 =	rddreg [dreg:$0x6];
	s22 =	simm.s32 $0x2180  }
0x18: {  	[hbm4b:s1+s3] =	stream.linear.scatter [tilespmem:s22], [sflag:$0x5], $0x80, $0x38;
	[tilespmem:$0x12200] =	vst v63  }
0x19: {  	s22 =	simm.s32 $0x5  }
0x1a: {  	_ =	swait.ge [sflag:s22], $0x80  }
0x1b: {  	s23 =	rddreg [dreg:$0x9]  }
0x1c: {  	s31 =	rddreg [dreg:$0x7];
	s23 =	sadd.s32 $0x1, s23  }
0x1d: {  	p0 =	sne.s32 s23, s31  }
.Ltmp1:
0x1e: {  	_ = 	snop;
	(pc) =	sbr.rel @!p0 .LBB2_5-.Ltmp1, $3  }
0x1f: {  	_ =	sdelay $0x1  }
0x20: {  	[sflag:s22] =	ssyncset.done $0x0  }
0x21: {  	[sflag:s22] =	ssyncadd.s32 $0xFFFFFF80  }
.LBB2_1:
0x22: {  	[dreg:$0x9] =	wrdreg s23  }
0x23: {  	s1 =	rddreg [dreg:$0x4]  }
0x24: {  	[tilespmem:s3], [sflag:$0x5] =	stream.linear.gather [hbm4b:s1+s3], $0x2000, $0x38;
	[tilespmem:$0x12200] =	vst v63  }
0x25: {  	_ =	swait.ge [sflag:s22], $0x2000  }
0x26: {  	[sflag:s22] =	ssyncset.done $0x0  }
0x27: {  	s31 =	simm.s32 $0x2000;
	s30 =	rddreg [dreg:$0x5];
	[sflag:s22] =	ssyncadd.s32 $0xFFFFE000  }
0x28: {  	[tilespmem:s31], [sflag:$0x5] =	stream.linear.gather [hbm4b:s30+s3], $0x100, $0x38;
	[tilespmem:$0x12200] =	vst v63  }
0x29: {  	_ =	swait.ge [sflag:s22], $0x100  }
0x2a: {  	[sflag:s22] =	ssyncset.done $0x0  }
0x2b: {  	[sflag:s22] =	ssyncadd.s32 $0xFFFFFF00  }
0x2c: {  	v5 =	vld.msk [tilespmem:$0x0], $0xf;
	_ =	sdelay $0x4  }
0x2d: {  	v6 =	vshll.u32 v5, $0x6  }
0x2e: {  	v5 =	vand.u32 $0x7, v5;
	v6 =	vand.u32 $0xFFFFFE00, v6  }
0x2f: {  	v5 =	vor.u32 v5, v6  }
0x30: {  	v5 =	vperm.xlane v5, v2;
	_ =	sdelay $0x1  }
0x31: {  	v5 =	vadd.s32 v3, v5;
	_ =	sdelay $0x2  }
0x32: {  	[tilespmem:$0x2100] =	vst v0  }
0x33: {  	[tilespmem:$0x2180] =	vst v1  }
0x34: {  	[tilespmem:s26], [sflag:$0x1] =	stream.indirect_vreg.gather [hbm4b:s2+s3], $0x80, v5, vm0, $0xb8;
	[tilespmem:$0x12200] =	vst v63  }
0x35: {  	s22 =	simm.s32 $0x2A00  }
0x36: {  	[tilespmem:s22], [sflag:$0x1] =	stream.indirect_vreg.gather [hbm4b:s6+s3], $0x80, v5, vm0, $0xb8;
	[tilespmem:$0x12200] =	vst v63  }
0x37: {  	s23 =	simm.s32 $0x3200  }
0x38: {  	[tilespmem:s23], [sflag:$0x1] =	stream.indirect_vreg.gather [hbm4b:s7+s3], $0x80, v5, vm0, $0xb8;
	[tilespmem:$0x12200] =	vst v63  }
0x39: {  	s24 =	simm.s32 $0x3A00  }
0x3a: {  	[tilespmem:s24], [sflag:$0x1] =	stream.indirect_vreg.gather [hbm4b:s8+s3], $0x80, v5, vm0, $0xb8;
	[tilespmem:$0x12200] =	vst v63  }
0x3b: {  	s30 =	simm.s32 $0x4200  }
0x3c: {  	[tilespmem:s30], [sflag:$0x1] =	stream.indirect_vreg.gather [hbm4b:s9+s3], $0x80, v5, vm0, $0xb8;
	[tilespmem:$0x12200] =	vst v63  }
0x3d: {  	s31 =	simm.s32 $0x4A00  }
0x3e: {  	[tilespmem:s31], [sflag:$0x1] =	stream.indirect_vreg.gather [hbm4b:s10+s3], $0x80, v5, vm0, $0xb8;
	[tilespmem:$0x12200] =	vst v63  }
0x3f: {  	s22 =	simm.s32 $0x5200  }
0x40: {  	[tilespmem:s22], [sflag:$0x1] =	stream.indirect_vreg.gather [hbm4b:s11+s3], $0x80, v5, vm0, $0xb8;
	[tilespmem:$0x12200] =	vst v63  }
0x41: {  	s23 =	simm.s32 $0x5A00  }
0x42: {  	[tilespmem:s23], [sflag:$0x1] =	stream.indirect_vreg.gather [hbm4b:s12+s3], $0x80, v5, vm0, $0xb8;
	[tilespmem:$0x12200] =	vst v63  }
0x43: {  	s24 =	simm.s32 $0x6200  }
0x44: {  	[tilespmem:s24], [sflag:$0x1] =	stream.indirect_vreg.gather [hbm4b:s13+s3], $0x80, v5, vm0, $0xb8;
	[tilespmem:$0x12200] =	vst v63  }
0x45: {  	s30 =	simm.s32 $0x6A00  }
0x46: {  	[tilespmem:s30], [sflag:$0x1] =	stream.indirect_vreg.gather [hbm4b:s14+s3], $0x80, v5, vm0, $0xb8;
	[tilespmem:$0x12200] =	vst v63  }
0x47: {  	s31 =	simm.s32 $0x7200  }
0x48: {  	[tilespmem:s31], [sflag:$0x1] =	stream.indirect_vreg.gather [hbm4b:s15+s3], $0x80, v5, vm0, $0xb8;
	[tilespmem:$0x12200] =	vst v63  }
0x49: {  	s22 =	simm.s32 $0x7A00  }
0x4a: {  	[tilespmem:s22], [sflag:$0x1] =	stream.indirect_vreg.gather [hbm4b:s16+s3], $0x80, v5, vm0, $0xb8;
	[tilespmem:$0x12200] =	vst v63  }
0x4b: {  	s23 =	simm.s32 $0x8200  }
0x4c: {  	[tilespmem:s23], [sflag:$0x1] =	stream.indirect_vreg.gather [hbm4b:s17+s3], $0x80, v5, vm0, $0xb8;
	[tilespmem:$0x12200] =	vst v63  }
0x4d: {  	s24 =	simm.s32 $0x8A00  }
0x4e: {  	[tilespmem:s24], [sflag:$0x1] =	stream.indirect_vreg.gather [hbm4b:s18+s3], $0x80, v5, vm0, $0xb8;
	[tilespmem:$0x12200] =	vst v63  }
0x4f: {  	s30 =	simm.s32 $0x9200  }
0x50: {  	[tilespmem:s30], [sflag:$0x1] =	stream.indirect_vreg.gather [hbm4b:s19+s3], $0x80, v5, vm0, $0xb8;
	[tilespmem:$0x12200] =	vst v63  }
0x51: {  	s31 =	simm.s32 $0x9A00  }
0x52: {  	[tilespmem:s31], [sflag:$0x1] =	stream.indirect_vreg.gather [hbm4b:s20+s3], $0x80, v5, vm0, $0xb8;
	[tilespmem:$0x12200] =	vst v63  }
0x53: {  	v5 =	vld.msk [tilespmem:$0x80], $0xf;
	_ =	sdelay $0x4  }
0x54: {  	v6 =	vshll.u32 v5, $0x6  }
0x55: {  	v5 =	vand.u32 $0x7, v5;
	v6 =	vand.u32 $0xFFFFFE00, v6  }
0x56: {  	v5 =	vor.u32 v5, v6  }
0x57: {  	v5 =	vperm.xlane v5, v2;
	_ =	sdelay $0x1  }
0x58: {  	v5 =	vadd.s32 v3, v5;
	_ =	sdelay $0x4  }
0x59: {  	[tilespmem:s29], [sflag:$0x2] =	stream.indirect_vreg.gather [hbm4b:s2+s3], $0x80, v5, vm0, $0xb8;
	[tilespmem:$0x12200] =	vst v63  }
0x5a: {  	s22 =	simm.s32 $0xAA00  }
0x5b: {  	[tilespmem:s22], [sflag:$0x2] =	stream.indirect_vreg.gather [hbm4b:s6+s3], $0x80, v5, vm0, $0xb8;
	[tilespmem:$0x12200] =	vst v63  }
0x5c: {  	s23 =	simm.s32 $0xB200  }
0x5d: {  	[tilespmem:s23], [sflag:$0x2] =	stream.indirect_vreg.gather [hbm4b:s7+s3], $0x80, v5, vm0, $0xb8;
	[tilespmem:$0x12200] =	vst v63  }
0x5e: {  	s24 =	simm.s32 $0xBA00  }
0x5f: {  	[tilespmem:s24], [sflag:$0x2] =	stream.indirect_vreg.gather [hbm4b:s8+s3], $0x80, v5, vm0, $0xb8;
	[tilespmem:$0x12200] =	vst v63  }
0x60: {  	s30 =	simm.s32 $0xC200  }
0x61: {  	[tilespmem:s30], [sflag:$0x2] =	stream.indirect_vreg.gather [hbm4b:s9+s3], $0x80, v5, vm0, $0xb8;
	[tilespmem:$0x12200] =	vst v63  }
0x62: {  	s31 =	simm.s32 $0xCA00  }
0x63: {  	[tilespmem:s31], [sflag:$0x2] =	stream.indirect_vreg.gather [hbm4b:s10+s3], $0x80, v5, vm0, $0xb8;
	[tilespmem:$0x12200] =	vst v63  }
0x64: {  	s22 =	simm.s32 $0xD200  }
0x65: {  	[tilespmem:s22], [sflag:$0x2] =	stream.indirect_vreg.gather [hbm4b:s11+s3], $0x80, v5, vm0, $0xb8;
	[tilespmem:$0x12200] =	vst v63  }
0x66: {  	s23 =	simm.s32 $0xDA00  }
0x67: {  	[tilespmem:s23], [sflag:$0x2] =	stream.indirect_vreg.gather [hbm4b:s12+s3], $0x80, v5, vm0, $0xb8;
	[tilespmem:$0x12200] =	vst v63  }
0x68: {  	s24 =	simm.s32 $0xE200  }
0x69: {  	[tilespmem:s24], [sflag:$0x2] =	stream.indirect_vreg.gather [hbm4b:s13+s3], $0x80, v5, vm0, $0xb8;
	[tilespmem:$0x12200] =	vst v63  }
0x6a: {  	s30 =	simm.s32 $0xEA00  }
0x6b: {  	[tilespmem:s30], [sflag:$0x2] =	stream.indirect_vreg.gather [hbm4b:s14+s3], $0x80, v5, vm0, $0xb8;
	[tilespmem:$0x12200] =	vst v63  }
0x6c: {  	s31 =	simm.s32 $0xF200  }
0x6d: {  	[tilespmem:s31], [sflag:$0x2] =	stream.indirect_vreg.gather [hbm4b:s15+s3], $0x80, v5, vm0, $0xb8;
	[tilespmem:$0x12200] =	vst v63  }
0x6e: {  	s22 =	simm.s32 $0xFA00  }
0x6f: {  	[tilespmem:s22], [sflag:$0x2] =	stream.indirect_vreg.gather [hbm4b:s16+s3], $0x80, v5, vm0, $0xb8;
	[tilespmem:$0x12200] =	vst v63  }
0x70: {  	s23 =	simm.s32 $0x10200  }
0x71: {  	[tilespmem:s23], [sflag:$0x2] =	stream.indirect_vreg.gather [hbm4b:s17+s3], $0x80, v5, vm0, $0xb8;
	[tilespmem:$0x12200] =	vst v63  }
0x72: {  	s24 =	simm.s32 $0x10A00  }
0x73: {  	[tilespmem:s24], [sflag:$0x2] =	stream.indirect_vreg.gather [hbm4b:s18+s3], $0x80, v5, vm0, $0xb8;
	[tilespmem:$0x12200] =	vst v63  }
0x74: {  	s30 =	simm.s32 $0x11200;
	s31 =	simm.s32 $0x11A00  }
0x75: {  	[tilespmem:s30], [sflag:$0x2] =	stream.indirect_vreg.gather [hbm4b:s19+s3], $0x80, v5, vm0, $0xb8;
	[tilespmem:$0x12200] =	vst v63  }
0x76: {  	s22 =	simm.s32 $0x180;
	s23 =	simm.s32 $0x0;
	s24 =	rddreg [dreg:$0x8]  }
0x77: {  	[tilespmem:s31], [sflag:$0x2] =	stream.indirect_vreg.gather [hbm4b:s20+s3], $0x80, v5, vm0, $0xb8;
	[tilespmem:$0x12200] =	vst v63  }
.LBB2_2:
0x78: {  	_ =	swait.ge [sflag:s0], $0x8000  }
0x79: {  	[sflag:s0] =	ssyncset.done $0x0  }
0x7a: {  	s30 =	sadd.s32 $0xFFFFFFC0, s24;
	[sflag:s0] =	ssyncadd.s32 $0xFFFF8000  }
0x7b: {  	[hbm4b:s30+s25] =	stream.strided.scatter [tilespmem:s26], [sflag:$0x3], $0x8000, s28, s25, $0x38;
	[tilespmem:$0x12200] =	vst v63  }
0x7c: {  	s30 =	sshra.s32 s23, $0x2  }
0x7d: {  	v5 =	vld [tilespmem:s30+$0x2000];
	_ =	sdelay $0x4  }
0x7e: {  	v6 =	vshll.u32 v5, $0x2  }
0x7f: {  	v5 =	vand.u32 $0x7F, v5;
	v6 =	vand.u32 $0xFFFFFE00, v6  }
0x80: {  	v5 =	vor.u32 v6, v5  }
0x81: {  	v5 =	vor.u32 v4, v5;
	_ =	sdelay $0x4  }
0x82: {  	v5 =	vld.idx.msk [tilespmem:v5+s26+$0x0], $0xf  }
0x83: {  	v6 =	vld [tilespmem:$0x2180];
	_ =	sdelay $0x3  }
0x84: {  	v5 =	vnsel vm1, $0x0, v5  }
0x85: {  	v5 =	vadd.f32 v5, v6;
	_ =	sdelay $0x1  }
0x86: {  	[tilespmem:$0x2180] =	vst v5  }
0x87: {  	_ =	swait.ge [sflag:s4], $0x8000  }
0x88: {  	[sflag:s4] =	ssyncset.done $0x0  }
0x89: {  	p0 =	seq.s32 s23, $0x3E0;
	[sflag:s4] =	ssyncadd.s32 $0xFFFF8000  }
0x8a: {  	v5 =	vld.msk @!p0 [tilespmem:s22+$0xFFFFFF80], $0xf;
	_ =	sdelay $0x4  }
0x8b: {  	v6 =	vshll.u32 @!p0 v5, $0x6  }
0x8c: {  	v7 =	vlaneseq.u32 @!p0;
	v5 =	vand.u32 @!p0 $0x7, v5;
	v6 =	vand.u32 @!p0 $0xFFFFFE00, v6  }
0x8d: {  	v5 =	vor.u32 @!p0 v5, v6;
	v6 =	vand.u32 @!p0 $0x3, v7;
	v7 =	vshrl.u32 @!p0 v7, $0x2  }
0x8e: {  	v5 =	vperm.xlane @!p0 v5, v6;
	v6 =	vmul.u32 @!p0 $0x8, v7;
	_ =	sdelay $0x1  }
0x8f: {  	v5 =	vadd.s32 @!p0 v6, v5;
	_ =	sdelay $0x3  }
0x90: {  	vm2 =	vmmov @!p0 $0xffff;
	s31 =	simm.s32 @!p0 $0x0;
	s1 =	simm.s32 @!p0 $0x2200  }
0x91: {  	[tilespmem:s1], [sflag:$0x1] =	stream.indirect_vreg.gather @!p0 [hbm4b:s2+s31], $0x80, v5, vm2, $0xb8;
	[tilespmem:$0x12200] =	vst v63  }
0x92: {  	s1 =	simm.s32 @!p0 $0x2A00  }
0x93: {  	[tilespmem:s1], [sflag:$0x1] =	stream.indirect_vreg.gather @!p0 [hbm4b:s6+s31], $0x80, v5, vm2, $0xb8;
	[tilespmem:$0x12200] =	vst v63  }
0x94: {  	s1 =	simm.s32 @!p0 $0x3200  }
0x95: {  	[tilespmem:s1], [sflag:$0x1] =	stream.indirect_vreg.gather @!p0 [hbm4b:s7+s31], $0x80, v5, vm2, $0xb8;
	[tilespmem:$0x12200] =	vst v63  }
0x96: {  	s1 =	simm.s32 @!p0 $0x3A00  }
0x97: {  	[tilespmem:s1], [sflag:$0x1] =	stream.indirect_vreg.gather @!p0 [hbm4b:s8+s31], $0x80, v5, vm2, $0xb8;
	[tilespmem:$0x12200] =	vst v63  }
0x98: {  	s1 =	simm.s32 @!p0 $0x4200  }
0x99: {  	[tilespmem:s1], [sflag:$0x1] =	stream.indirect_vreg.gather @!p0 [hbm4b:s9+s31], $0x80, v5, vm2, $0xb8;
	[tilespmem:$0x12200] =	vst v63  }
0x9a: {  	s1 =	simm.s32 @!p0 $0x4A00  }
0x9b: {  	[tilespmem:s1], [sflag:$0x1] =	stream.indirect_vreg.gather @!p0 [hbm4b:s10+s31], $0x80, v5, vm2, $0xb8;
	[tilespmem:$0x12200] =	vst v63  }
0x9c: {  	s1 =	simm.s32 @!p0 $0x5200  }
0x9d: {  	[tilespmem:s1], [sflag:$0x1] =	stream.indirect_vreg.gather @!p0 [hbm4b:s11+s31], $0x80, v5, vm2, $0xb8;
	[tilespmem:$0x12200] =	vst v63  }
0x9e: {  	s1 =	simm.s32 @!p0 $0x5A00  }
0x9f: {  	[tilespmem:s1], [sflag:$0x1] =	stream.indirect_vreg.gather @!p0 [hbm4b:s12+s31], $0x80, v5, vm2, $0xb8;
	[tilespmem:$0x12200] =	vst v63  }
0xa0: {  	s1 =	simm.s32 @!p0 $0x6200  }
0xa1: {  	[tilespmem:s1], [sflag:$0x1] =	stream.indirect_vreg.gather @!p0 [hbm4b:s13+s31], $0x80, v5, vm2, $0xb8;
	[tilespmem:$0x12200] =	vst v63  }
0xa2: {  	s1 =	simm.s32 @!p0 $0x6A00  }
0xa3: {  	[tilespmem:s1], [sflag:$0x1] =	stream.indirect_vreg.gather @!p0 [hbm4b:s14+s31], $0x80, v5, vm2, $0xb8;
	[tilespmem:$0x12200] =	vst v63  }
0xa4: {  	s1 =	simm.s32 @!p0 $0x7200  }
0xa5: {  	[tilespmem:s1], [sflag:$0x1] =	stream.indirect_vreg.gather @!p0 [hbm4b:s15+s31], $0x80, v5, vm2, $0xb8;
	[tilespmem:$0x12200] =	vst v63  }
0xa6: {  	s1 =	simm.s32 @!p0 $0x7A00  }
0xa7: {  	[tilespmem:s1], [sflag:$0x1] =	stream.indirect_vreg.gather @!p0 [hbm4b:s16+s31], $0x80, v5, vm2, $0xb8;
	[tilespmem:$0x12200] =	vst v63  }
0xa8: {  	s1 =	simm.s32 @!p0 $0x8200  }
0xa9: {  	[tilespmem:s1], [sflag:$0x1] =	stream.indirect_vreg.gather @!p0 [hbm4b:s17+s31], $0x80, v5, vm2, $0xb8;
	[tilespmem:$0x12200] =	vst v63  }
0xaa: {  	s1 =	simm.s32 @!p0 $0x8A00  }
0xab: {  	[tilespmem:s1], [sflag:$0x1] =	stream.indirect_vreg.gather @!p0 [hbm4b:s18+s31], $0x80, v5, vm2, $0xb8;
	[tilespmem:$0x12200] =	vst v63  }
0xac: {  	s1 =	simm.s32 @!p0 $0x9200  }
0xad: {  	[tilespmem:s1], [sflag:$0x1] =	stream.indirect_vreg.gather @!p0 [hbm4b:s19+s31], $0x80, v5, vm2, $0xb8;
	[tilespmem:$0x12200] =	vst v63  }
0xae: {  	s1 =	simm.s32 @!p0 $0x9A00  }
0xaf: {  	[tilespmem:s1], [sflag:$0x1] =	stream.indirect_vreg.gather @!p0 [hbm4b:s20+s31], $0x80, v5, vm2, $0xb8;
	[tilespmem:$0x12200] =	vst v63  }
0xb0: {  	_ =	swait.ge [sflag:s5], $0x8000  }
0xb1: {  	[sflag:s5] =	ssyncset.done $0x0  }
0xb2: {  	[sflag:s5] =	ssyncadd.s32 $0xFFFF8000  }
0xb3: {  	[hbm4b:s24+s25] =	stream.strided.scatter [tilespmem:s29], [sflag:$0x4], $0x8000, s28, s25, $0x38;
	[tilespmem:$0x12200] =	vst v63  }
0xb4: {  	v5 =	vld [tilespmem:s30+$0x2004];
	_ =	sdelay $0x4  }
0xb5: {  	v6 =	vshll.u32 v5, $0x2  }
0xb6: {  	v5 =	vand.u32 $0x7F, v5;
	v6 =	vand.u32 $0xFFFFFE00, v6  }
0xb7: {  	v5 =	vor.u32 v6, v5  }
0xb8: {  	v5 =	vor.u32 v4, v5;
	_ =	sdelay $0x4  }
0xb9: {  	v5 =	vld.idx.msk [tilespmem:v5+s29+$0x0], $0xf  }
0xba: {  	v6 =	vld [tilespmem:$0x2180];
	_ =	sdelay $0x3  }
0xbb: {  	v5 =	vnsel vm1, $0x0, v5  }
0xbc: {  	v5 =	vadd.f32 v5, v6  }
.Ltmp2:
0xbd: {  	_ = 	snop;
	(pc) =	sbr.rel @p0 .LBB2_4-.Ltmp2, $4  }
0xbe: {  	[tilespmem:$0x2180] =	vst v5  }
0xbf: {  	_ =	swait.ge [sflag:s21], $0x8000  }
0xc0: {  	[sflag:s21] =	ssyncset.done $0x0  }
0xc1: {  	[sflag:s21] =	ssyncadd.s32 $0xFFFF8000  }
0xc2: {  	v5 =	vld.msk [tilespmem:s22+$0x0], $0xf;
	_ =	sdelay $0x4  }
0xc3: {  	v6 =	vshll.u32 v5, $0x6  }
0xc4: {  	v5 =	vand.u32 $0x7, v5;
	v6 =	vand.u32 $0xFFFFFE00, v6  }
0xc5: {  	v5 =	vor.u32 v5, v6  }
0xc6: {  	v5 =	vperm.xlane v5, v2;
	_ =	sdelay $0x1  }
0xc7: {  	v5 =	vadd.s32 v3, v5;
	_ =	sdelay $0x4  }
0xc8: {  	[tilespmem:s29], [sflag:$0x2] =	stream.indirect_vreg.gather [hbm4b:s2+s3], $0x80, v5, vm0, $0xb8;
	[tilespmem:$0x12200] =	vst v63  }
0xc9: {  	s1 =	simm.s32 $0xAA00  }
0xca: {  	[tilespmem:s1], [sflag:$0x2] =	stream.indirect_vreg.gather [hbm4b:s6+s3], $0x80, v5, vm0, $0xb8;
	[tilespmem:$0x12200] =	vst v63  }
0xcb: {  	s30 =	simm.s32 $0xB200  }
0xcc: {  	[tilespmem:s30], [sflag:$0x2] =	stream.indirect_vreg.gather [hbm4b:s7+s3], $0x80, v5, vm0, $0xb8;
	[tilespmem:$0x12200] =	vst v63  }
0xcd: {  	s31 =	simm.s32 $0xBA00  }
0xce: {  	[tilespmem:s31], [sflag:$0x2] =	stream.indirect_vreg.gather [hbm4b:s8+s3], $0x80, v5, vm0, $0xb8;
	[tilespmem:$0x12200] =	vst v63  }
0xcf: {  	s30 =	simm.s32 $0xC200  }
0xd0: {  	[tilespmem:s30], [sflag:$0x2] =	stream.indirect_vreg.gather [hbm4b:s9+s3], $0x80, v5, vm0, $0xb8;
	[tilespmem:$0x12200] =	vst v63  }
0xd1: {  	s31 =	simm.s32 $0xCA00  }
0xd2: {  	[tilespmem:s31], [sflag:$0x2] =	stream.indirect_vreg.gather [hbm4b:s10+s3], $0x80, v5, vm0, $0xb8;
	[tilespmem:$0x12200] =	vst v63  }
0xd3: {  	s30 =	simm.s32 $0xD200  }
0xd4: {  	[tilespmem:s30], [sflag:$0x2] =	stream.indirect_vreg.gather [hbm4b:s11+s3], $0x80, v5, vm0, $0xb8;
	[tilespmem:$0x12200] =	vst v63  }
0xd5: {  	s31 =	simm.s32 $0xDA00  }
0xd6: {  	[tilespmem:s31], [sflag:$0x2] =	stream.indirect_vreg.gather [hbm4b:s12+s3], $0x80, v5, vm0, $0xb8;
	[tilespmem:$0x12200] =	vst v63  }
0xd7: {  	s30 =	simm.s32 $0xE200  }
0xd8: {  	[tilespmem:s30], [sflag:$0x2] =	stream.indirect_vreg.gather [hbm4b:s13+s3], $0x80, v5, vm0, $0xb8;
	[tilespmem:$0x12200] =	vst v63  }
0xd9: {  	s31 =	simm.s32 $0xEA00  }
0xda: {  	[tilespmem:s31], [sflag:$0x2] =	stream.indirect_vreg.gather [hbm4b:s14+s3], $0x80, v5, vm0, $0xb8;
	[tilespmem:$0x12200] =	vst v63  }
0xdb: {  	s30 =	simm.s32 $0xF200  }
0xdc: {  	[tilespmem:s30], [sflag:$0x2] =	stream.indirect_vreg.gather [hbm4b:s15+s3], $0x80, v5, vm0, $0xb8;
	[tilespmem:$0x12200] =	vst v63  }
0xdd: {  	s31 =	simm.s32 $0xFA00  }
0xde: {  	[tilespmem:s31], [sflag:$0x2] =	stream.indirect_vreg.gather [hbm4b:s16+s3], $0x80, v5, vm0, $0xb8;
	[tilespmem:$0x12200] =	vst v63  }
0xdf: {  	s30 =	simm.s32 $0x10200  }
0xe0: {  	[tilespmem:s30], [sflag:$0x2] =	stream.indirect_vreg.gather [hbm4b:s17+s3], $0x80, v5, vm0, $0xb8;
	[tilespmem:$0x12200] =	vst v63  }
0xe1: {  	s31 =	simm.s32 $0x10A00  }
0xe2: {  	[tilespmem:s31], [sflag:$0x2] =	stream.indirect_vreg.gather [hbm4b:s18+s3], $0x80, v5, vm0, $0xb8;
	[tilespmem:$0x12200] =	vst v63  }
.Ltmp3:
0xe3: {  	_ = 	snop;
	(pc) =	sbr.rel .LBB2_2-.Ltmp3, $4  }
0xe4: {  	s24 =	sadd.s32 $0x2000, s24;
	s30 =	simm.s32 $0x11200  }
0xe5: {  	[tilespmem:s30], [sflag:$0x2] =	stream.indirect_vreg.gather [hbm4b:s19+s3], $0x80, v5, vm0, $0xb8;
	[tilespmem:$0x12200] =	vst v63  }
0xe6: {  	s23 =	sadd.s32 $0x20, s23;
	s22 =	sadd.s32 $0x100, s22;
	s31 =	simm.s32 $0x11A00  }
0xe7: {  	[tilespmem:s31], [sflag:$0x2] =	stream.indirect_vreg.gather [hbm4b:s20+s3], $0x80, v5, vm0, $0xb8;
	[tilespmem:$0x12200] =	vst v63  }
.LBB2_5:
0xe8: {  	_ =	sfence.sel $0x180000  }
0xe9: {  	[bflag:$0x0] =	sbarrier.arrive $0xFFFF  }
0xea: {  	_ =	strace $0x90000047  }
0xeb: {  	s0 =	stileid.u32;
	[bflag:$0x2] =	sbarrier.arrive $0xFFFF  }
0xec: {  	p0 =	sne.s32 s0, $0x0;
	s0 =	rddreg [dreg:$0x3]  }
0xed: {  	s0 =	sadd.s32 @!p0 $0x100000, s0  }
0xee: {  	[sflag:s0] =	ssyncadd.tile.s32 @!p0 $0x1;
	_ =	shalt  }
.Lfunc_end2:
_tile_overlayer_lowered:
.L_overlay_start_2:
0xef: {  	(tag) =	ssettag $0x2  }
0xf0: {  	s0 =	rddreg [dreg:$0x0];
	s2 =	stileid.u32  }
0xf1: {  	s1 =	rddreg [dreg:$0x1];
	p0 =	sne.s32 s2, $0x0  }
0xf2: {  	s3 =	rddreg [dreg:$0x2];
	[bflag:$0x3] =	sbarrier.arrive $0xFFFF;
	s2 =	simm.s32 @!p0 $0x1C05  }
0xf3: {  	[timem:s3], [sflag:s2] =	dma.local @!p0 [hbm:s0], s1  }
0xf4: {  	s0 =	simm.s32 @!p0 $0x5  }
0xf5: {  	_ =	swait.ge @!p0 [sflag:s0], s1  }
0xf6: {  	s1 =	ssub.s32 @!p0 $0x0, s1;
	[sflag:s0] =	ssyncset.done @!p0 $0x0  }
0xf7: {  	[sflag:s0] =	ssyncadd.s32 @!p0 s1  }
0xf8: {  	[bflag:$0x3] =	sbarrier.arrive $0xFFFF  }
0xf9: {  	_ =	shalt  }

</sc_bundles>
